<compile_context>
chip_gen: v7x
topology: tpu7x:2x2x1
jax: 0.10.2.dev20260603
libtpu: 0.0.44.dev20260713+nightly
codegen_flags: <defaults>
</compile_context>

<pallas_src>
import functools

import jax
import jax.numpy as jnp
from jax import lax
from jax.experimental import pallas as pl
from jax.experimental.pallas import tpu as pltpu
from jax.experimental.pallas import tpu_sc as plsc

N_NODES = 10000
N_EDGES = 320000
NUM_GRAPHS = 32
D = 128
D_DESC = 80
L_DESC = 200

NP = 10112
CHUNK = 128
N_SUB = 16
N_CORES = 2
CHUNKS_PER_TILE = 160
E_TILE = CHUNKS_PER_TILE * CHUNK
E_PAD = E_TILE * N_SUB
ROWS_PER_TILE = NP // N_SUB

_sc_mesh = lambda: plsc.VectorSubcoreMesh(core_axis_name="c", subcore_axis_name="s")


def _deg_body(dst_hbm, zeros_hbm, ones_hbm, deg_out, dst_v, ones_v, acc_sh):
    c = lax.axis_index("c")
    s = lax.axis_index("s")
    r0 = s * ROWS_PER_TILE
    pltpu.sync_copy(zeros_hbm.at[pl.ds(r0, ROWS_PER_TILE)],
                    acc_sh.at[pl.ds(r0, ROWS_PER_TILE)])
    pltpu.sync_copy(ones_hbm, ones_v)
    pltpu.sync_copy(dst_hbm.at[c, s], dst_v)
    plsc.subcore_barrier()

    def body(j, carry):
        pltpu.sync_copy(ones_v, acc_sh.at[dst_v.at[j]], add=True)
        return carry

    lax.fori_loop(0, CHUNKS_PER_TILE, body, 0)
    plsc.subcore_barrier()

    def spin(i, carry):
        return carry * 3 + 1

    wait_val = lax.fori_loop(0, 100000, spin, 1)
    dst_v[0, pl.ds(0, 16)] = jnp.full((16,), wait_val, jnp.int32)
    plsc.subcore_barrier()
    pltpu.sync_copy(acc_sh.at[pl.ds(r0, ROWS_PER_TILE)],
                    deg_out.at[c, pl.ds(r0, ROWS_PER_TILE)])


def _deg_counts(dst_r, zeros16, ones16):
    kfn = functools.partial(
        pl.kernel,
        mesh=_sc_mesh(),
        out_type=jax.ShapeDtypeStruct((N_CORES, NP, 16), jnp.float32),
        scratch_types=[
            pltpu.VMEM((CHUNKS_PER_TILE, CHUNK), jnp.int32),
            pltpu.VMEM((CHUNK, 16), jnp.float32),
            pltpu.VMEM_SHARED((NP, 16), jnp.float32),
        ],
    )
    return kfn(_deg_body)(dst_r, zeros16, ones16)


def _spmm_body(src_hbm, dst_hbm, g_hbm, zeros_hbm, acc_out, dump_out,
               src_v, dst_v, rows_v, acc_sh, gsem):
    c = lax.axis_index("c")
    s = lax.axis_index("s")
    r0 = s * ROWS_PER_TILE
    pltpu.sync_copy(zeros_hbm.at[pl.ds(r0, ROWS_PER_TILE)],
                    acc_sh.at[pl.ds(r0, ROWS_PER_TILE)])
    pltpu.sync_copy(dst_hbm.at[c, s], dst_v)
    plsc.subcore_barrier()

    def gather_body(j, carry):
        pltpu.sync_copy(src_hbm.at[c, s, j], src_v)
        pltpu.async_copy(g_hbm.at[src_v], rows_v, gsem).wait()
        pltpu.sync_copy(
            rows_v, dump_out.at[c, pl.ds(s * E_TILE + j * CHUNK, CHUNK)])
        return carry

    lax.fori_loop(0, CHUNKS_PER_TILE, gather_body, 0)

    def scat_body(j, carry):
        pltpu.sync_copy(
            dump_out.at[c, pl.ds(s * E_TILE + j * CHUNK, CHUNK)], rows_v)
        pltpu.sync_copy(rows_v, acc_sh.at[dst_v.at[j]], add=True)
        return carry

    lax.fori_loop(0, CHUNKS_PER_TILE, scat_body, 0)
    plsc.subcore_barrier()

    def spin(i, carry):
        return carry * 3 + 1

    src_v[pl.ds(0, 16)] = jnp.full(
        (16,), lax.fori_loop(0, 100000, spin, 1), jnp.int32)
    plsc.subcore_barrier()
    pltpu.sync_copy(acc_sh.at[pl.ds(r0, ROWS_PER_TILE)],
                    acc_out.at[c, pl.ds(r0, ROWS_PER_TILE)])


def _spmm(src_r, dst_r, g_flat, zerosD):
    kfn = functools.partial(
        pl.kernel,
        mesh=_sc_mesh(),
        out_type=[jax.ShapeDtypeStruct((N_CORES, NP, D), jnp.float32),
                  jax.ShapeDtypeStruct((N_CORES, E_PAD, D), jnp.float32)],
        scratch_types=[
            pltpu.VMEM((CHUNK,), jnp.int32),
            pltpu.VMEM((CHUNKS_PER_TILE, CHUNK), jnp.int32),
            pltpu.VMEM((CHUNK, D), jnp.float32),
            pltpu.VMEM_SHARED((NP, D), jnp.float32),
            pltpu.SemaphoreType.DMA,
        ],
    )
    return kfn(_spmm_body)(src_r, dst_r, g_flat, zerosD)


def _h_body(x_ref, w_ref, o_ref):
    o_ref[0] = jnp.dot(x_ref[0], w_ref[0].T, preferred_element_type=jnp.float32)


def _h_matmul(xs, wgs):
    blk = 2000
    return pl.pallas_call(
        _h_body,
        grid=(2, N_NODES // blk),
        in_specs=[
            pl.BlockSpec((1, blk, D), lambda c, j: (c, j, 0)),
            pl.BlockSpec((1, D, D), lambda c, j: (c, 0, 0)),
        ],
        out_specs=pl.BlockSpec((1, blk, D), lambda c, j: (c, j, 0)),
        out_shape=jax.ShapeDtypeStruct((2, N_NODES, D), jnp.float32),
    )(xs, wgs)


def _g_body(h_ref, deg_ref, o_ref):
    dis = lax.rsqrt(deg_ref[0][:, 0:1] + 1.0)
    o_ref[0] = h_ref[0] * dis


def _g_scale(h, deg):
    blk = 2000
    return pl.pallas_call(
        _g_body,
        grid=(2, N_NODES // blk),
        in_specs=[
            pl.BlockSpec((1, blk, D), lambda c, j: (c, j, 0)),
            pl.BlockSpec((1, blk, 16), lambda c, j: (c, j, 0)),
        ],
        out_specs=pl.BlockSpec((1, blk, D), lambda c, j: (c, j, 0)),
        out_shape=jax.ShapeDtypeStruct((2, N_NODES, D), jnp.float32),
    )(h, deg)


def _lrelu(t):
    return jnp.where(t >= 0, t, 0.01 * t)


def _pool_body(acc_ref, h_ref, deg_ref, batch_ref, b_ref, sum_ref, cnt_ref):
    j = pl.program_id(1)
    deg = deg_ref[0][:, 0:1] + 1.0
    node = acc_ref[0] * lax.rsqrt(deg) + h_ref[0] / deg + b_ref[0, 0]
    node = _lrelu(node)
    bt = batch_ref[0, 0]
    onehot = (lax.broadcasted_iota(jnp.int32, (NUM_GRAPHS, bt.shape[0]), 0)
              == bt[None, :]).astype(jnp.float32)
    psum = jnp.dot(onehot, node, preferred_element_type=jnp.float32)
    pcnt = jnp.sum(onehot, axis=1)[:, None] * jnp.ones((1, D), jnp.float32)

    @pl.when(j == 0)
    def _():
        sum_ref[0] = jnp.zeros_like(sum_ref[0])
        cnt_ref[0] = jnp.zeros_like(cnt_ref[0])

    sum_ref[0] += psum
    cnt_ref[0] += pcnt


def _pool(acc, h, deg, batch_r, bgs):
    blk = 2000
    nj = N_NODES // blk
    return pl.pallas_call(
        _pool_body,
        grid=(2, nj),
        in_specs=[
            pl.BlockSpec((1, blk, D), lambda c, j: (c, j, 0)),
            pl.BlockSpec((1, blk, D), lambda c, j: (c, j, 0)),
            pl.BlockSpec((1, blk, 16), lambda c, j: (c, j, 0)),
            pl.BlockSpec((1, 1, blk), lambda c, j: (c * nj + j, 0, 0)),
            pl.BlockSpec((1, 1, D), lambda c, j: (c, 0, 0)),
        ],
        out_specs=[
            pl.BlockSpec((1, NUM_GRAPHS, D), lambda c, j: (c, 0, 0)),
            pl.BlockSpec((1, NUM_GRAPHS, D), lambda c, j: (c, 0, 0)),
        ],
        out_shape=[
            jax.ShapeDtypeStruct((2, NUM_GRAPHS, D), jnp.float32),
            jax.ShapeDtypeStruct((2, NUM_GRAPHS, D), jnp.float32),
        ],
    )(acc, h, deg, batch_r, bgs)


def _mas_body(m_ref, w_ref, b_ref, o_ref):
    l = pl.program_id(1)
    x = m_ref[0].reshape(NUM_GRAPHS * 40, D_DESC)
    y = jnp.dot(x, w_ref[0].T, preferred_element_type=jnp.float32) + b_ref[0, 0]
    y = _lrelu(y).reshape(NUM_GRAPHS, 40, D)
    ymax = jnp.max(y, axis=1)

    @pl.when(l == 0)
    def _():
        o_ref[0] = jnp.full_like(o_ref[0], -jnp.inf)

    o_ref[0] = jnp.maximum(o_ref[0], ymax)


def _mas(mas_all, wms, bms):
    return pl.pallas_call(
        _mas_body,
        grid=(4, L_DESC // 40),
        in_specs=[
            pl.BlockSpec((1, NUM_GRAPHS, 40, D_DESC), lambda b, l: (b, 0, l, 0)),
            pl.BlockSpec((1, D, D_DESC), lambda b, l: (b, 0, 0)),
            pl.BlockSpec((1, 1, D), lambda b, l: (b, 0, 0)),
        ],
        out_specs=pl.BlockSpec((1, NUM_GRAPHS, D), lambda b, l: (b, 0, 0)),
        out_shape=jax.ShapeDtypeStruct((4, NUM_GRAPHS, D), jnp.float32),
    )(mas_all, wms, bms)


def _final_body(sum_ref, cnt_ref, wfc_ref, bfc_ref, m_ref, wo_ref, bo_ref, o_ref):
    pooled = sum_ref[...] / jnp.maximum(cnt_ref[...], 1.0)
    z1 = _lrelu(jnp.dot(pooled[0], wfc_ref[0].T,
                        preferred_element_type=jnp.float32) + bfc_ref[0])
    z2 = _lrelu(jnp.dot(pooled[1], wfc_ref[1].T,
                        preferred_element_type=jnp.float32) + bfc_ref[1])
    combined = jnp.concatenate(
        [z1, z2, m_ref[0], m_ref[1], m_ref[2], m_ref[3]], axis=1)
    o_ref[...] = (jnp.sum(combined * wo_ref[...], axis=1, keepdims=True)
                  + bo_ref[...][None, :])


def _final(psum, pcnt, wfcs, bfcs, mas_out, W_out, b_out):
    return pl.pallas_call(
        _final_body,
        out_shape=jax.ShapeDtypeStruct((NUM_GRAPHS, 1), jnp.float32),
    )(psum, pcnt, wfcs, bfcs, mas_out, W_out, b_out)


def kernel(pro1_x, pro1_edge_index, pro1_batch, pro2_x, pro2_edge_index,
           pro2_batch, mas1_straight, mas1_flipped, mas2_straight,
           mas2_flipped, W_g1, b_g1, W_fc1, b_fc1, W_g2, b_g2, W_fc2, b_fc2,
           W_m1s, b_m1s, W_m1f, b_m1f, W_m2s, b_m2s, W_m2f, b_m2f,
           W_out, b_out):
    e1 = pro1_edge_index.astype(jnp.int32)
    e2 = pro2_edge_index.astype(jnp.int32)
    npad = E_PAD - N_EDGES
    pad_src = jnp.zeros((npad,), jnp.int32)
    pad_dst = N_NODES + (jnp.arange(npad, dtype=jnp.int32) % 16)
    src_r = jnp.stack([
        jnp.concatenate([e1[0], pad_src]),
        jnp.concatenate([e2[0], pad_src + N_NODES]),
    ]).reshape(N_CORES, N_SUB, CHUNKS_PER_TILE, CHUNK)
    dst_r = jnp.stack([
        jnp.concatenate([e1[1], pad_dst]),
        jnp.concatenate([e2[1], pad_dst]),
    ]).reshape(N_CORES, N_SUB, CHUNKS_PER_TILE, CHUNK)

    zeros16 = jnp.zeros((NP, 16), jnp.float32)
    ones16 = jnp.ones((CHUNK, 16), jnp.float32)
    zerosD = jnp.zeros((NP, D), jnp.float32)

    xs = jnp.stack([pro1_x, pro2_x])
    wgs = jnp.stack([W_g1, W_g2])
    bgs = jnp.stack([b_g1, b_g2])

    h = _h_matmul(xs, wgs)
    deg = _deg_counts(dst_r, zeros16, ones16)
    g = _g_scale(h, deg)
    acc, _ = _spmm(src_r, dst_r, g.reshape(2 * N_NODES, D), zerosD)

    batch_r = jnp.stack([pro1_batch.astype(jnp.int32),
                         pro2_batch.astype(jnp.int32)]).reshape(10, 1, 2000)
    psum, pcnt = _pool(acc[:, :N_NODES], h, deg[:, :N_NODES], batch_r,
                       bgs.reshape(2, 1, D))

    mas_all = jnp.stack([mas1_straight, mas1_flipped, mas2_straight,
                         mas2_flipped])
    wms = jnp.stack([W_m1s, W_m1f, W_m2s, W_m2f])
    bms = jnp.stack([b_m1s, b_m1f, b_m2s, b_m2f])
    mas_out = _mas(mas_all, wms, bms.reshape(4, 1, D))

    wfcs = jnp.stack([W_fc1, W_fc2])
    bfcs = jnp.stack([b_fc1, b_fc2])
    return _final(psum, pcnt, wfcs, bfcs, mas_out, W_out, b_out)

# --- scband reference (transcript-rebuilt; emitter-appended) ---
"""Pipeline reference for scband-gcnn-desc-pool-26688926777485 (READ-ONLY COPY).

The authoritative reference and input builder live on the scoring server;
editing this copy changes nothing except your own understanding.
"""

import jax, jax.numpy as jnp
import numpy as np

N_NODES = 10000
N_EDGES = 320000
NUM_GRAPHS = 32
D_IN = 128
D_OUT = 128
D_DESC = 80
L_DESC = 200


def _glorot(key, shape):
    fan_in, fan_out = shape[-1], shape[0]
    lim = np.sqrt(6.0 / (fan_in + fan_out))
    return jax.random.uniform(key, shape, jnp.float32, -lim, lim)


def setup_inputs(seed: int = 0) -> dict:
    key = jax.random.key(seed)
    ks = [jax.random.fold_in(key, i) for i in range(40)]
    inp = {}
    inp["pro1_x"] = jax.random.normal(ks[0], (N_NODES, D_IN), jnp.float32)
    inp["pro1_edge_index"] = jax.random.randint(ks[1], (2, N_EDGES), 0, N_NODES, jnp.int64 if jax.config.jax_enable_x64 else jnp.int32)
    inp["pro1_batch"] = jnp.sort(jax.random.randint(ks[2], (N_NODES,), 0, NUM_GRAPHS))
    inp["pro2_x"] = jax.random.normal(ks[3], (N_NODES, D_IN), jnp.float32)
    inp["pro2_edge_index"] = jax.random.randint(ks[4], (2, N_EDGES), 0, N_NODES, jnp.int64 if jax.config.jax_enable_x64 else jnp.int32)
    inp["pro2_batch"] = jnp.sort(jax.random.randint(ks[5], (N_NODES,), 0, NUM_GRAPHS))
    inp["mas1_straight"] = jax.random.normal(ks[6], (NUM_GRAPHS, L_DESC, D_DESC), jnp.float32)
    inp["mas1_flipped"] = jax.random.normal(ks[7], (NUM_GRAPHS, L_DESC, D_DESC), jnp.float32)
    inp["mas2_straight"] = jax.random.normal(ks[8], (NUM_GRAPHS, L_DESC, D_DESC), jnp.float32)
    inp["mas2_flipped"] = jax.random.normal(ks[9], (NUM_GRAPHS, L_DESC, D_DESC), jnp.float32)
    # parameters
    inp["W_g1"] = _glorot(ks[10], (D_IN, D_IN)); inp["b_g1"] = jnp.zeros((D_IN,), jnp.float32)
    inp["W_fc1"] = _glorot(ks[11], (D_OUT, D_IN)); inp["b_fc1"] = jnp.zeros((D_OUT,), jnp.float32)
    inp["W_g2"] = _glorot(ks[12], (D_IN, D_IN)); inp["b_g2"] = jnp.zeros((D_IN,), jnp.float32)
    inp["W_fc2"] = _glorot(ks[13], (D_OUT, D_IN)); inp["b_fc2"] = jnp.zeros((D_OUT,), jnp.float32)
    inp["W_m1s"] = _glorot(ks[14], (D_OUT, D_DESC)); inp["b_m1s"] = jnp.zeros((D_OUT,), jnp.float32)
    inp["W_m1f"] = _glorot(ks[15], (D_OUT, D_DESC)); inp["b_m1f"] = jnp.zeros((D_OUT,), jnp.float32)
    inp["W_m2s"] = _glorot(ks[16], (D_OUT, D_DESC)); inp["b_m2s"] = jnp.zeros((D_OUT,), jnp.float32)
    inp["W_m2f"] = _glorot(ks[17], (D_OUT, D_DESC)); inp["b_m2f"] = jnp.zeros((D_OUT,), jnp.float32)
    inp["W_out"] = _glorot(ks[18], (1, 6 * D_OUT)); inp["b_out"] = jnp.zeros((1,), jnp.float32)
    return inp


def _gcn_conv(x, edge_index, W, b):
    n = x.shape[0]
    h = x @ W.T
    loop = jnp.arange(n, dtype=edge_index.dtype)
    src = jnp.concatenate([edge_index[0], loop])
    dst = jnp.concatenate([edge_index[1], loop])
    deg = jax.ops.segment_sum(jnp.ones_like(dst, dtype=h.dtype), dst, num_segments=n)
    dis = jnp.where(deg > 0, 1.0 / jnp.sqrt(deg), 0.0)
    norm = dis[src] * dis[dst]
    msg = h[src] * norm[:, None]
    out = jax.ops.segment_sum(msg, dst, num_segments=n)
    return out + b


def _gep(x, batch):
    s = jax.ops.segment_sum(x, batch, num_segments=NUM_GRAPHS)
    cnt = jax.ops.segment_sum(jnp.ones((x.shape[0],), x.dtype), batch, num_segments=NUM_GRAPHS)
    return s / jnp.clip(cnt, 1.0)[:, None]


def _mas_branch(mas, W, b):
    # conv1d kernel_size=1 on [B, D, L] == per-position linear; then LeakyReLU; then max over L
    y = jnp.einsum('bld,od->blo', mas, W) + b
    y = jax.nn.leaky_relu(y, 0.01)
    return jnp.max(y, axis=1)


def reference(pro1_x, pro1_edge_index, pro1_batch, pro2_x, pro2_edge_index, pro2_batch,
              mas1_straight, mas1_flipped, mas2_straight, mas2_flipped,
              W_g1, b_g1, W_fc1, b_fc1, W_g2, b_g2, W_fc2, b_fc2,
              W_m1s, b_m1s, W_m1f, b_m1f, W_m2s, b_m2s, W_m2f, b_m2f,
              W_out, b_out):
    lrelu = lambda t: jax.nn.leaky_relu(t, 0.01)
    x = _gcn_conv(pro1_x, pro1_edge_index, W_g1, b_g1)
    x = lrelu(x)
    x = _gep(x, pro1_batch)
    x = lrelu(x @ W_fc1.T + b_fc1)  # dropout = identity (eval mode)
    xt = _gcn_conv(pro2_x, pro2_edge_index, W_g2, b_g2)
    xt = lrelu(xt)
    xt = _gep(xt, pro2_batch)
    xt = lrelu(xt @ W_fc2.T + b_fc2)
    m1s = _mas_branch(mas1_straight, W_m1s, b_m1s)
    m1f = _mas_branch(mas1_flipped, W_m1f, b_m1f)
    m2s = _mas_branch(mas2_straight, W_m2s, b_m2s)
    m2f = _mas_branch(mas2_flipped, W_m2f, b_m2f)
    combined = jnp.concatenate([x, xt, m1s, m1f, m2s, m2f], axis=1)
    return combined @ W_out.T + b_out

if __name__ == "__main__":
    import jax
    _d = setup_inputs()
    print(jax.jit(kernel)(*tuple(_d.values())))

</pallas_src>

<mosaic_0001>
#map = affine_map<(d0, d1) -> (0, 0, 0, 0)>
#map1 = affine_map<(d0, d1) -> (0, 0)>
#map2 = affine_map<(d0, d1) -> (0, 0, 0)>
module attributes {stable_mosaic.version = 14 : i64} {
  func.func @_deg_body(%arg0: i32, %arg1: i32, %arg2: memref<2x16x160x128xi32, #tpu.memory_space<hbm>>, %arg3: memref<10112x16xf32, #tpu.memory_space<hbm>>, %arg4: memref<128x16xf32, #tpu.memory_space<hbm>>, %arg5: memref<2x10112x16xf32, #tpu.memory_space<hbm>>, %arg6: memref<160x128xi32, #tpu.memory_space<vmem>>, %arg7: memref<128x16xf32, #tpu.memory_space<vmem>>, %arg8: memref<10112x16xf32, #tpu.memory_space<vmem_shared>>) attributes {dimension_semantics = [#tpu.dimension_semantics<core_parallel>, #tpu.dimension_semantics<subcore_parallel>], iteration_bounds = array<i64: 2, 16>, scalar_prefetch = 0 : i64, scratch_operands = 3 : i64, tpu.core_type = #tpu.core_type<sc_vector_subcore>, window_params = [{transform_indices = #map}, {transform_indices = #map1}, {transform_indices = #map1}, {transform_indices = #map2}]} {
    %mul3A = arith.constant 632 : i32
    %mul3A_0 = arith.muli %arg1, %mul3A : i32
    "tpu.region"() ({
      %run_scoped3A = tpu.sem_alloc : memref<!tpu.dma_semaphore, #tpu.memory_space<semaphore_mem>>
      %dma_start3A = arith.constant 0 : i32
      %dma_start3A_20 = tpu.memref_slice %arg8[%mul3A_0, %dma_start3A] : memref<10112x16xf32, #tpu.memory_space<vmem_shared>> -> memref<632x16xf32, #tpu.memory_space<vmem_shared>>
      %dma_start3A_21 = arith.constant 0 : i32
      %dma_start3A_22 = tpu.memref_slice %arg3[%mul3A_0, %dma_start3A_21] : memref<10112x16xf32, #tpu.memory_space<hbm>> -> memref<632x16xf32, #tpu.memory_space<hbm>>
      tpu.enqueue_dma source(%dma_start3A_22 : memref<632x16xf32, #tpu.memory_space<hbm>>) target(%dma_start3A_20 : memref<632x16xf32, #tpu.memory_space<vmem_shared>>) target_semaphore(%run_scoped3A : memref<!tpu.dma_semaphore, #tpu.memory_space<semaphore_mem>>)
      %dma_wait3A = arith.constant 0 : i32
      %dma_wait3A_23 = tpu.memref_slice %arg8[%mul3A_0, %dma_wait3A] : memref<10112x16xf32, #tpu.memory_space<vmem_shared>> -> memref<632x16xf32, #tpu.memory_space<vmem_shared>>
      %dma_wait3A_24 = arith.constant 0 : i32
      %dma_wait3A_25 = tpu.memref_slice %arg3[%mul3A_0, %dma_wait3A_24] : memref<10112x16xf32, #tpu.memory_space<hbm>> -> memref<632x16xf32, #tpu.memory_space<hbm>>
      tpu.wait_dma2 semaphore(%run_scoped3A : memref<!tpu.dma_semaphore, #tpu.memory_space<semaphore_mem>>) src(%dma_wait3A_25 : memref<632x16xf32, #tpu.memory_space<hbm>>) dst(%dma_wait3A_23 : memref<632x16xf32, #tpu.memory_space<vmem_shared>>)
      tpu.yield
    }) : () -> ()
    "tpu.region"() ({
      %run_scoped3A = tpu.sem_alloc : memref<!tpu.dma_semaphore, #tpu.memory_space<semaphore_mem>>
      tpu.enqueue_dma source(%arg4 : memref<128x16xf32, #tpu.memory_space<hbm>>) target(%arg7 : memref<128x16xf32, #tpu.memory_space<vmem>>) target_semaphore(%run_scoped3A : memref<!tpu.dma_semaphore, #tpu.memory_space<semaphore_mem>>)
      tpu.wait_dma2 semaphore(%run_scoped3A : memref<!tpu.dma_semaphore, #tpu.memory_space<semaphore_mem>>) src(%arg4 : memref<128x16xf32, #tpu.memory_space<hbm>>) dst(%arg7 : memref<128x16xf32, #tpu.memory_space<vmem>>)
      tpu.yield
    }) : () -> ()
    "tpu.region"() ({
      %run_scoped3A = tpu.sem_alloc : memref<!tpu.dma_semaphore, #tpu.memory_space<semaphore_mem>>
      %dma_start3A = arith.constant 0 : i32
      %dma_start3A_20 = arith.constant 0 : i32
      %dma_start3A_21 = tpu.memref_slice %arg2[%arg0, %arg1, %dma_start3A, %dma_start3A_20] : memref<2x16x160x128xi32, #tpu.memory_space<hbm>> -> memref<1x1x160x128xi32, #tpu.memory_space<hbm>>
      %dma_start3A_22 = tpu.memref_squeeze %dma_start3A_21 : memref<1x1x160x128xi32, #tpu.memory_space<hbm>> -> memref<160x128xi32, #tpu.memory_space<hbm>>
      %dma_start3A_23 = arith.constant 0 : i32
      %dma_start3A_24 = arith.constant 0 : i32
      %dma_start3A_25 = tpu.memref_slice %arg2[%arg0, %arg1, %dma_start3A_23, %dma_start3A_24] : memref<2x16x160x128xi32, #tpu.memory_space<hbm>> -> memref<1x1x160x128xi32, #tpu.memory_space<hbm>>
      %dma_start3A_26 = tpu.memref_squeeze %dma_start3A_25 : memref<1x1x160x128xi32, #tpu.memory_space<hbm>> -> memref<160x128xi32, #tpu.memory_space<hbm>>
      tpu.enqueue_dma source(%dma_start3A_26 : memref<160x128xi32, #tpu.memory_space<hbm>>) target(%arg6 : memref<160x128xi32, #tpu.memory_space<vmem>>) target_semaphore(%run_scoped3A : memref<!tpu.dma_semaphore, #tpu.memory_space<semaphore_mem>>)
      %dma_wait3A = arith.constant 0 : i32
      %dma_wait3A_27 = arith.constant 0 : i32
      %dma_wait3A_28 = tpu.memref_slice %arg2[%arg0, %arg1, %dma_wait3A, %dma_wait3A_27] : memref<2x16x160x128xi32, #tpu.memory_space<hbm>> -> memref<1x1x160x128xi32, #tpu.memory_space<hbm>>
      %dma_wait3A_29 = tpu.memref_squeeze %dma_wait3A_28 : memref<1x1x160x128xi32, #tpu.memory_space<hbm>> -> memref<160x128xi32, #tpu.memory_space<hbm>>
      %dma_wait3A_30 = arith.constant 0 : i32
      %dma_wait3A_31 = arith.constant 0 : i32
      %dma_wait3A_32 = tpu.memref_slice %arg2[%arg0, %arg1, %dma_wait3A_30, %dma_wait3A_31] : memref<2x16x160x128xi32, #tpu.memory_space<hbm>> -> memref<1x1x160x128xi32, #tpu.memory_space<hbm>>
      %dma_wait3A_33 = tpu.memref_squeeze %dma_wait3A_32 : memref<1x1x160x128xi32, #tpu.memory_space<hbm>> -> memref<160x128xi32, #tpu.memory_space<hbm>>
      tpu.wait_dma2 semaphore(%run_scoped3A : memref<!tpu.dma_semaphore, #tpu.memory_space<semaphore_mem>>) src(%dma_wait3A_33 : memref<160x128xi32, #tpu.memory_space<hbm>>) dst(%arg6 : memref<160x128xi32, #tpu.memory_space<vmem>>)
      tpu.yield
    }) : () -> ()
    %barrier3A = arith.constant 0 : index
    tpu.barrier barrier_id(%barrier3A)
    %scan3A = arith.constant 0 : i32
    %scan3A_1 = arith.constant 0 : i32
    %scan3A_2 = arith.constant 160 : i32
    %scan3A_3 = arith.addi %scan3A_1, %scan3A_2 : i32
    %scan3A_4 = arith.constant 1 : i32
    scf.for %scan3A_20 = %scan3A_1 to %scan3A_3 step %scan3A_4  : i32 {
      "tpu.region"() ({
        %run_scoped3A = tpu.sem_alloc : memref<!tpu.dma_semaphore, #tpu.memory_space<semaphore_mem>>
        %dma_start3A = arith.constant 0 : i32
        %dma_start3A_21 = tpu.memref_slice %arg6[%scan3A_20, %dma_start3A] : memref<160x128xi32, #tpu.memory_space<vmem>> -> memref<1x128xi32, #tpu.memory_space<vmem>>
        %dma_start3A_22 = tpu.memref_squeeze %dma_start3A_21 : memref<1x128xi32, #tpu.memory_space<vmem>> -> memref<128xi32, #tpu.memory_space<vmem>>
        %dma_start3A_23 = arith.constant 0 : i32
        %dma_start3A_24 = arith.constant 0 : i32
        %dma_start3A_25 = tpu.memref_slice %arg8[%dma_start3A_23, %dma_start3A_24] : memref<10112x16xf32, #tpu.memory_space<vmem_shared>> -> memref<10112x16xf32, #tpu.memory_space<vmem_shared>>
        tpu.enqueue_indirect_dma source(%arg7 : memref<128x16xf32, #tpu.memory_space<vmem>>) target(%dma_start3A_25 : memref<10112x16xf32, #tpu.memory_space<vmem_shared>>) offsets(%dma_start3A_22 : memref<128xi32, #tpu.memory_space<vmem>>) semaphore(%run_scoped3A : memref<!tpu.dma_semaphore, #tpu.memory_space<semaphore_mem>>) {add = true}
        %dma_wait3A = arith.constant 0 : i32
        %dma_wait3A_26 = tpu.memref_slice %arg6[%scan3A_20, %dma_wait3A] : memref<160x128xi32, #tpu.memory_space<vmem>> -> memref<1x128xi32, #tpu.memory_space<vmem>>
        %dma_wait3A_27 = tpu.memref_squeeze %dma_wait3A_26 : memref<1x128xi32, #tpu.memory_space<vmem>> -> memref<128xi32, #tpu.memory_space<vmem>>
        %dma_wait3A_28 = arith.constant 0 : i32
        %dma_wait3A_29 = arith.constant 0 : i32
        %dma_wait3A_30 = tpu.memref_slice %arg8[%dma_wait3A_28, %dma_wait3A_29] : memref<10112x16xf32, #tpu.memory_space<vmem_shared>> -> memref<10112x16xf32, #tpu.memory_space<vmem_shared>>
        tpu.wait_indirect_dma semaphore(%run_scoped3A : memref<!tpu.dma_semaphore, #tpu.memory_space<semaphore_mem>>) src(%arg7 : memref<128x16xf32, #tpu.memory_space<vmem>>) dst(%dma_wait3A_30 : memref<10112x16xf32, #tpu.memory_space<vmem_shared>>)
        tpu.yield
      }) : () -> ()
    }
    %scan3A_5 = arith.constant 160 : i32
    %barrier3A_6 = arith.constant 0 : index
    tpu.barrier barrier_id(%barrier3A_6)
    %scan3A_7 = arith.constant 1 : i32
    %scan3A_8 = arith.constant 0 : i32
    %scan3A_9 = arith.constant 100000 : i32
    %scan3A_10 = arith.addi %scan3A_8, %scan3A_9 : i32
    %scan3A_11 = arith.constant 1 : i32
    %scan3A_12 = scf.for %scan3A_20 = %scan3A_8 to %scan3A_10 step %scan3A_11 iter_args(%scan3A_21 = %scan3A_7) -> (i32)  : i32 {
      %mul3A_22 = arith.constant 3 : i32
      %mul3A_23 = arith.muli %scan3A_21, %mul3A_22 : i32
      %add3A = arith.constant 1 : i32
      %add3A_24 = arith.addi %mul3A_23, %add3A : i32
      scf.yield %add3A_24 : i32
    }
    %scan3A_13 = arith.constant 100000 : i32
    %broadcast_in_dim3A = vector.broadcast %scan3A_12 : i32 to vector<16xi32>
    %swap3A = arith.constant 0 : i32
    %swap3A_14 = arith.index_cast %swap3A : i32 to index
    %swap3A_15 = arith.constant 0 : index
    %swap3A_16 = tpu.vector_load %arg6[%swap3A_14, %swap3A_15] {strides = array<i32>} : memref<160x128xi32, #tpu.memory_space<vmem>>, vector<1x16xi32>,
    %swap3A_17 = vector.shape_cast %swap3A_16 : vector<1x16xi32> to vector<16xi32>
    %swap3A_18 = vector.shape_cast %broadcast_in_dim3A : vector<16xi32> to vector<1x16xi32>
    tpu.vector_store %arg6[%swap3A_14, %swap3A_15], %swap3A_18 {strides = array<i32>} : memref<160x128xi32, #tpu.memory_space<vmem>>, vector<1x16xi32>,
    %barrier3A_19 = arith.constant 0 : index
    tpu.barrier barrier_id(%barrier3A_19)
    "tpu.region"() ({
      %run_scoped3A = tpu.sem_alloc : memref<!tpu.dma_semaphore, #tpu.memory_space<semaphore_mem>>
      %dma_start3A = arith.constant 0 : i32
      %dma_start3A_20 = tpu.memref_slice %arg5[%arg0, %mul3A_0, %dma_start3A] : memref<2x10112x16xf32, #tpu.memory_space<hbm>> -> memref<1x632x16xf32, #tpu.memory_space<hbm>>
      %dma_start3A_21 = tpu.memref_squeeze %dma_start3A_20 : memref<1x632x16xf32, #tpu.memory_space<hbm>> -> memref<632x16xf32, #tpu.memory_space<hbm>>
      %dma_start3A_22 = arith.constant 0 : i32
      %dma_start3A_23 = tpu.memref_slice %arg8[%mul3A_0, %dma_start3A_22] : memref<10112x16xf32, #tpu.memory_space<vmem_shared>> -> memref<632x16xf32, #tpu.memory_space<vmem_shared>>
      tpu.enqueue_dma source(%dma_start3A_23 : memref<632x16xf32, #tpu.memory_space<vmem_shared>>) target(%dma_start3A_21 : memref<632x16xf32, #tpu.memory_space<hbm>>) target_semaphore(%run_scoped3A : memref<!tpu.dma_semaphore, #tpu.memory_space<semaphore_mem>>)
      %dma_wait3A = arith.constant 0 : i32
      %dma_wait3A_24 = tpu.memref_slice %arg5[%arg0, %mul3A_0, %dma_wait3A] : memref<2x10112x16xf32, #tpu.memory_space<hbm>> -> memref<1x632x16xf32, #tpu.memory_space<hbm>>
      %dma_wait3A_25 = tpu.memref_squeeze %dma_wait3A_24 : memref<1x632x16xf32, #tpu.memory_space<hbm>> -> memref<632x16xf32, #tpu.memory_space<hbm>>
      %dma_wait3A_26 = arith.constant 0 : i32
      %dma_wait3A_27 = tpu.memref_slice %arg8[%mul3A_0, %dma_wait3A_26] : memref<10112x16xf32, #tpu.memory_space<vmem_shared>> -> memref<632x16xf32, #tpu.memory_space<vmem_shared>>
      tpu.wait_dma2 semaphore(%run_scoped3A : memref<!tpu.dma_semaphore, #tpu.memory_space<semaphore_mem>>) src(%dma_wait3A_27 : memref<632x16xf32, #tpu.memory_space<vmem_shared>>) dst(%dma_wait3A_25 : memref<632x16xf32, #tpu.memory_space<hbm>>)
      tpu.yield
    }) : () -> ()
    return
  }
}

#map = affine_map<(d0, d1) -> (0, 0, 0, 0)>
#map1 = affine_map<(d0, d1) -> (0, 0)>
#map2 = affine_map<(d0, d1) -> (0, 0, 0)>
module attributes {stable_mosaic.version = 14 : i64} {
  func.func @_spmm_body(%arg0: i32, %arg1: i32, %arg2: memref<2x16x160x128xi32, #tpu.memory_space<hbm>>, %arg3: memref<2x16x160x128xi32, #tpu.memory_space<hbm>>, %arg4: memref<20000x128xf32, #tpu.memory_space<hbm>>, %arg5: memref<10112x128xf32, #tpu.memory_space<hbm>>, %arg6: memref<2x10112x128xf32, #tpu.memory_space<hbm>>, %arg7: memref<2x327680x128xf32, #tpu.memory_space<hbm>>, %arg8: memref<128xi32, #tpu.memory_space<vmem>>, %arg9: memref<160x128xi32, #tpu.memory_space<vmem>>, %arg10: memref<128x128xf32, #tpu.memory_space<vmem>>, %arg11: memref<10112x128xf32, #tpu.memory_space<vmem_shared>>, %arg12: memref<!tpu.dma_semaphore, #tpu.memory_space<semaphore_mem>>) attributes {dimension_semantics = [#tpu.dimension_semantics<core_parallel>, #tpu.dimension_semantics<subcore_parallel>], iteration_bounds = array<i64: 2, 16>, scalar_prefetch = 0 : i64, scratch_operands = 5 : i64, tpu.core_type = #tpu.core_type<sc_vector_subcore>, window_params = [{transform_indices = #map}, {transform_indices = #map}, {transform_indices = #map1}, {transform_indices = #map1}, {transform_indices = #map2}, {transform_indices = #map2}]} {
    %mul3A = arith.constant 632 : i32
    %mul3A_0 = arith.muli %arg1, %mul3A : i32
    "tpu.region"() ({
      %run_scoped3A = tpu.sem_alloc : memref<!tpu.dma_semaphore, #tpu.memory_space<semaphore_mem>>
      %dma_start3A = arith.constant 0 : i32
      %dma_start3A_24 = tpu.memref_slice %arg11[%mul3A_0, %dma_start3A] : memref<10112x128xf32, #tpu.memory_space<vmem_shared>> -> memref<632x128xf32, #tpu.memory_space<vmem_shared>>
      %dma_start3A_25 = arith.constant 0 : i32
      %dma_start3A_26 = tpu.memref_slice %arg5[%mul3A_0, %dma_start3A_25] : memref<10112x128xf32, #tpu.memory_space<hbm>> -> memref<632x128xf32, #tpu.memory_space<hbm>>
      tpu.enqueue_dma source(%dma_start3A_26 : memref<632x128xf32, #tpu.memory_space<hbm>>) target(%dma_start3A_24 : memref<632x128xf32, #tpu.memory_space<vmem_shared>>) target_semaphore(%run_scoped3A : memref<!tpu.dma_semaphore, #tpu.memory_space<semaphore_mem>>)
      %dma_wait3A = arith.constant 0 : i32
      %dma_wait3A_27 = tpu.memref_slice %arg11[%mul3A_0, %dma_wait3A] : memref<10112x128xf32, #tpu.memory_space<vmem_shared>> -> memref<632x128xf32, #tpu.memory_space<vmem_shared>>
      %dma_wait3A_28 = arith.constant 0 : i32
      %dma_wait3A_29 = tpu.memref_slice %arg5[%mul3A_0, %dma_wait3A_28] : memref<10112x128xf32, #tpu.memory_space<hbm>> -> memref<632x128xf32, #tpu.memory_space<hbm>>
      tpu.wait_dma2 semaphore(%run_scoped3A : memref<!tpu.dma_semaphore, #tpu.memory_space<semaphore_mem>>) src(%dma_wait3A_29 : memref<632x128xf32, #tpu.memory_space<hbm>>) dst(%dma_wait3A_27 : memref<632x128xf32, #tpu.memory_space<vmem_shared>>)
      tpu.yield
    }) : () -> ()
    "tpu.region"() ({
      %run_scoped3A = tpu.sem_alloc : memref<!tpu.dma_semaphore, #tpu.memory_space<semaphore_mem>>
      %dma_start3A = arith.constant 0 : i32
      %dma_start3A_24 = arith.constant 0 : i32
      %dma_start3A_25 = tpu.memref_slice %arg3[%arg0, %arg1, %dma_start3A, %dma_start3A_24] : memref<2x16x160x128xi32, #tpu.memory_space<hbm>> -> memref<1x1x160x128xi32, #tpu.memory_space<hbm>>
      %dma_start3A_26 = tpu.memref_squeeze %dma_start3A_25 : memref<1x1x160x128xi32, #tpu.memory_space<hbm>> -> memref<160x128xi32, #tpu.memory_space<hbm>>
      %dma_start3A_27 = arith.constant 0 : i32
      %dma_start3A_28 = arith.constant 0 : i32
      %dma_start3A_29 = tpu.memref_slice %arg3[%arg0, %arg1, %dma_start3A_27, %dma_start3A_28] : memref<2x16x160x128xi32, #tpu.memory_space<hbm>> -> memref<1x1x160x128xi32, #tpu.memory_space<hbm>>
      %dma_start3A_30 = tpu.memref_squeeze %dma_start3A_29 : memref<1x1x160x128xi32, #tpu.memory_space<hbm>> -> memref<160x128xi32, #tpu.memory_space<hbm>>
      tpu.enqueue_dma source(%dma_start3A_30 : memref<160x128xi32, #tpu.memory_space<hbm>>) target(%arg9 : memref<160x128xi32, #tpu.memory_space<vmem>>) target_semaphore(%run_scoped3A : memref<!tpu.dma_semaphore, #tpu.memory_space<semaphore_mem>>)
      %dma_wait3A = arith.constant 0 : i32
      %dma_wait3A_31 = arith.constant 0 : i32
      %dma_wait3A_32 = tpu.memref_slice %arg3[%arg0, %arg1, %dma_wait3A, %dma_wait3A_31] : memref<2x16x160x128xi32, #tpu.memory_space<hbm>> -> memref<1x1x160x128xi32, #tpu.memory_space<hbm>>
      %dma_wait3A_33 = tpu.memref_squeeze %dma_wait3A_32 : memref<1x1x160x128xi32, #tpu.memory_space<hbm>> -> memref<160x128xi32, #tpu.memory_space<hbm>>
      %dma_wait3A_34 = arith.constant 0 : i32
      %dma_wait3A_35 = arith.constant 0 : i32
      %dma_wait3A_36 = tpu.memref_slice %arg3[%arg0, %arg1, %dma_wait3A_34, %dma_wait3A_35] : memref<2x16x160x128xi32, #tpu.memory_space<hbm>> -> memref<1x1x160x128xi32, #tpu.memory_space<hbm>>
      %dma_wait3A_37 = tpu.memref_squeeze %dma_wait3A_36 : memref<1x1x160x128xi32, #tpu.memory_space<hbm>> -> memref<160x128xi32, #tpu.memory_space<hbm>>
      tpu.wait_dma2 semaphore(%run_scoped3A : memref<!tpu.dma_semaphore, #tpu.memory_space<semaphore_mem>>) src(%dma_wait3A_37 : memref<160x128xi32, #tpu.memory_space<hbm>>) dst(%arg9 : memref<160x128xi32, #tpu.memory_space<vmem>>)
      tpu.yield
    }) : () -> ()
    %barrier3A = arith.constant 0 : index
    tpu.barrier barrier_id(%barrier3A)
    %scan3A = arith.constant 0 : i32
    %scan3A_1 = arith.constant 0 : i32
    %scan3A_2 = arith.constant 160 : i32
    %scan3A_3 = arith.addi %scan3A_1, %scan3A_2 : i32
    %scan3A_4 = arith.constant 1 : i32
    scf.for %scan3A_24 = %scan3A_1 to %scan3A_3 step %scan3A_4  : i32 {
      "tpu.region"() ({
        %run_scoped3A = tpu.sem_alloc : memref<!tpu.dma_semaphore, #tpu.memory_space<semaphore_mem>>
        %dma_start3A_33 = arith.constant 0 : i32
        %dma_start3A_34 = tpu.memref_slice %arg2[%arg0, %arg1, %scan3A_24, %dma_start3A_33] : memref<2x16x160x128xi32, #tpu.memory_space<hbm>> -> memref<1x1x1x128xi32, #tpu.memory_space<hbm>>
        %dma_start3A_35 = tpu.memref_squeeze %dma_start3A_34 : memref<1x1x1x128xi32, #tpu.memory_space<hbm>> -> memref<128xi32, #tpu.memory_space<hbm>>
        %dma_start3A_36 = arith.constant 0 : i32
        %dma_start3A_37 = tpu.memref_slice %arg2[%arg0, %arg1, %scan3A_24, %dma_start3A_36] : memref<2x16x160x128xi32, #tpu.memory_space<hbm>> -> memref<1x1x1x128xi32, #tpu.memory_space<hbm>>
        %dma_start3A_38 = tpu.memref_squeeze %dma_start3A_37 : memref<1x1x1x128xi32, #tpu.memory_space<hbm>> -> memref<128xi32, #tpu.memory_space<hbm>>
        tpu.enqueue_dma source(%dma_start3A_38 : memref<128xi32, #tpu.memory_space<hbm>>) target(%arg8 : memref<128xi32, #tpu.memory_space<vmem>>) target_semaphore(%run_scoped3A : memref<!tpu.dma_semaphore, #tpu.memory_space<semaphore_mem>>)
        %dma_wait3A_39 = arith.constant 0 : i32
        %dma_wait3A_40 = tpu.memref_slice %arg2[%arg0, %arg1, %scan3A_24, %dma_wait3A_39] : memref<2x16x160x128xi32, #tpu.memory_space<hbm>> -> memref<1x1x1x128xi32, #tpu.memory_space<hbm>>
        %dma_wait3A_41 = tpu.memref_squeeze %dma_wait3A_40 : memref<1x1x1x128xi32, #tpu.memory_space<hbm>> -> memref<128xi32, #tpu.memory_space<hbm>>
        %dma_wait3A_42 = arith.constant 0 : i32
        %dma_wait3A_43 = tpu.memref_slice %arg2[%arg0, %arg1, %scan3A_24, %dma_wait3A_42] : memref<2x16x160x128xi32, #tpu.memory_space<hbm>> -> memref<1x1x1x128xi32, #tpu.memory_space<hbm>>
        %dma_wait3A_44 = tpu.memref_squeeze %dma_wait3A_43 : memref<1x1x1x128xi32, #tpu.memory_space<hbm>> -> memref<128xi32, #tpu.memory_space<hbm>>
        tpu.wait_dma2 semaphore(%run_scoped3A : memref<!tpu.dma_semaphore, #tpu.memory_space<semaphore_mem>>) src(%dma_wait3A_44 : memref<128xi32, #tpu.memory_space<hbm>>) dst(%arg8 : memref<128xi32, #tpu.memory_space<vmem>>)
        tpu.yield
      }) : () -> ()
      %dma_start3A = arith.constant 0 : i32
      %dma_start3A_25 = arith.constant 0 : i32
      %dma_start3A_26 = tpu.memref_slice %arg4[%dma_start3A, %dma_start3A_25] : memref<20000x128xf32, #tpu.memory_space<hbm>> -> memref<20000x128xf32, #tpu.memory_space<hbm>>
      tpu.enqueue_indirect_dma source(%dma_start3A_26 : memref<20000x128xf32, #tpu.memory_space<hbm>>) target(%arg10 : memref<128x128xf32, #tpu.memory_space<vmem>>) offsets(%arg8 : memref<128xi32, #tpu.memory_space<vmem>>) semaphore(%arg12 : memref<!tpu.dma_semaphore, #tpu.memory_space<semaphore_mem>>)
      %dma_wait3A = arith.constant 0 : i32
      %dma_wait3A_27 = arith.constant 0 : i32
      %dma_wait3A_28 = tpu.memref_slice %arg4[%dma_wait3A, %dma_wait3A_27] : memref<20000x128xf32, #tpu.memory_space<hbm>> -> memref<20000x128xf32, #tpu.memory_space<hbm>>
      tpu.wait_indirect_dma semaphore(%arg12 : memref<!tpu.dma_semaphore, #tpu.memory_space<semaphore_mem>>) src(%dma_wait3A_28 : memref<20000x128xf32, #tpu.memory_space<hbm>>) dst(%arg10 : memref<128x128xf32, #tpu.memory_space<vmem>>)
      %mul3A_29 = arith.constant 20480 : i32
      %mul3A_30 = arith.muli %arg1, %mul3A_29 : i32
      %mul3A_31 = arith.constant 128 : i32
      %mul3A_32 = arith.muli %scan3A_24, %mul3A_31 : i32
      %add3A = arith.addi %mul3A_30, %mul3A_32 : i32
      "tpu.region"() ({
        %run_scoped3A = tpu.sem_alloc : memref<!tpu.dma_semaphore, #tpu.memory_space<semaphore_mem>>
        %dma_start3A_33 = arith.constant 0 : i32
        %dma_start3A_34 = tpu.memref_slice %arg7[%arg0, %add3A, %dma_start3A_33] : memref<2x327680x128xf32, #tpu.memory_space<hbm>> -> memref<1x128x128xf32, #tpu.memory_space<hbm>>
        %dma_start3A_35 = tpu.memref_squeeze %dma_start3A_34 : memref<1x128x128xf32, #tpu.memory_space<hbm>> -> memref<128x128xf32, #tpu.memory_space<hbm>>
        %dma_start3A_36 = arith.constant 0 : i32
        %dma_start3A_37 = tpu.memref_slice %arg7[%arg0, %add3A, %dma_start3A_36] : memref<2x327680x128xf32, #tpu.memory_space<hbm>> -> memref<1x128x128xf32, #tpu.memory_space<hbm>>
        %dma_start3A_38 = tpu.memref_squeeze %dma_start3A_37 : memref<1x128x128xf32, #tpu.memory_space<hbm>> -> memref<128x128xf32, #tpu.memory_space<hbm>>
        tpu.enqueue_dma source(%arg10 : memref<128x128xf32, #tpu.memory_space<vmem>>) target(%dma_start3A_38 : memref<128x128xf32, #tpu.memory_space<hbm>>) target_semaphore(%run_scoped3A : memref<!tpu.dma_semaphore, #tpu.memory_space<semaphore_mem>>)
        %dma_wait3A_39 = arith.constant 0 : i32
        %dma_wait3A_40 = tpu.memref_slice %arg7[%arg0, %add3A, %dma_wait3A_39] : memref<2x327680x128xf32, #tpu.memory_space<hbm>> -> memref<1x128x128xf32, #tpu.memory_space<hbm>>
        %dma_wait3A_41 = tpu.memref_squeeze %dma_wait3A_40 : memref<1x128x128xf32, #tpu.memory_space<hbm>> -> memref<128x128xf32, #tpu.memory_space<hbm>>
        %dma_wait3A_42 = arith.constant 0 : i32
        %dma_wait3A_43 = tpu.memref_slice %arg7[%arg0, %add3A, %dma_wait3A_42] : memref<2x327680x128xf32, #tpu.memory_space<hbm>> -> memref<1x128x128xf32, #tpu.memory_space<hbm>>
        %dma_wait3A_44 = tpu.memref_squeeze %dma_wait3A_43 : memref<1x128x128xf32, #tpu.memory_space<hbm>> -> memref<128x128xf32, #tpu.memory_space<hbm>>
        tpu.wait_dma2 semaphore(%run_scoped3A : memref<!tpu.dma_semaphore, #tpu.memory_space<semaphore_mem>>) src(%arg10 : memref<128x128xf32, #tpu.memory_space<vmem>>) dst(%dma_wait3A_44 : memref<128x128xf32, #tpu.memory_space<hbm>>)
        tpu.yield
      }) : () -> ()
    }
    %scan3A_5 = arith.constant 160 : i32
    %scan3A_6 = arith.constant 0 : i32
    %scan3A_7 = arith.constant 0 : i32
    %scan3A_8 = arith.constant 160 : i32
    %scan3A_9 = arith.addi %scan3A_7, %scan3A_8 : i32
    %scan3A_10 = arith.constant 1 : i32
    scf.for %scan3A_24 = %scan3A_7 to %scan3A_9 step %scan3A_10  : i32 {
      %mul3A_25 = arith.constant 20480 : i32
      %mul3A_26 = arith.muli %arg1, %mul3A_25 : i32
      %mul3A_27 = arith.constant 128 : i32
      %mul3A_28 = arith.muli %scan3A_24, %mul3A_27 : i32
      %add3A = arith.addi %mul3A_26, %mul3A_28 : i32
      "tpu.region"() ({
        %run_scoped3A = tpu.sem_alloc : memref<!tpu.dma_semaphore, #tpu.memory_space<semaphore_mem>>
        %dma_start3A = arith.constant 0 : i32
        %dma_start3A_29 = tpu.memref_slice %arg7[%arg0, %add3A, %dma_start3A] : memref<2x327680x128xf32, #tpu.memory_space<hbm>> -> memref<1x128x128xf32, #tpu.memory_space<hbm>>
        %dma_start3A_30 = tpu.memref_squeeze %dma_start3A_29 : memref<1x128x128xf32, #tpu.memory_space<hbm>> -> memref<128x128xf32, #tpu.memory_space<hbm>>
        %dma_start3A_31 = arith.constant 0 : i32
        %dma_start3A_32 = tpu.memref_slice %arg7[%arg0, %add3A, %dma_start3A_31] : memref<2x327680x128xf32, #tpu.memory_space<hbm>> -> memref<1x128x128xf32, #tpu.memory_space<hbm>>
        %dma_start3A_33 = tpu.memref_squeeze %dma_start3A_32 : memref<1x128x128xf32, #tpu.memory_space<hbm>> -> memref<128x128xf32, #tpu.memory_space<hbm>>
        tpu.enqueue_dma source(%dma_start3A_33 : memref<128x128xf32, #tpu.memory_space<hbm>>) target(%arg10 : memref<128x128xf32, #tpu.memory_space<vmem>>) target_semaphore(%run_scoped3A : memref<!tpu.dma_semaphore, #tpu.memory_space<semaphore_mem>>)
        %dma_wait3A = arith.constant 0 : i32
        %dma_wait3A_34 = tpu.memref_slice %arg7[%arg0, %add3A, %dma_wait3A] : memref<2x327680x128xf32, #tpu.memory_space<hbm>> -> memref<1x128x128xf32, #tpu.memory_space<hbm>>
        %dma_wait3A_35 = tpu.memref_squeeze %dma_wait3A_34 : memref<1x128x128xf32, #tpu.memory_space<hbm>> -> memref<128x128xf32, #tpu.memory_space<hbm>>
        %dma_wait3A_36 = arith.constant 0 : i32
        %dma_wait3A_37 = tpu.memref_slice %arg7[%arg0, %add3A, %dma_wait3A_36] : memref<2x327680x128xf32, #tpu.memory_space<hbm>> -> memref<1x128x128xf32, #tpu.memory_space<hbm>>
        %dma_wait3A_38 = tpu.memref_squeeze %dma_wait3A_37 : memref<1x128x128xf32, #tpu.memory_space<hbm>> -> memref<128x128xf32, #tpu.memory_space<hbm>>
        tpu.wait_dma2 semaphore(%run_scoped3A : memref<!tpu.dma_semaphore, #tpu.memory_space<semaphore_mem>>) src(%dma_wait3A_38 : memref<128x128xf32, #tpu.memory_space<hbm>>) dst(%arg10 : memref<128x128xf32, #tpu.memory_space<vmem>>)
        tpu.yield
      }) : () -> ()
      "tpu.region"() ({
        %run_scoped3A = tpu.sem_alloc : memref<!tpu.dma_semaphore, #tpu.memory_space<semaphore_mem>>
        %dma_start3A = arith.constant 0 : i32
        %dma_start3A_29 = tpu.memref_slice %arg9[%scan3A_24, %dma_start3A] : memref<160x128xi32, #tpu.memory_space<vmem>> -> memref<1x128xi32, #tpu.memory_space<vmem>>
        %dma_start3A_30 = tpu.memref_squeeze %dma_start3A_29 : memref<1x128xi32, #tpu.memory_space<vmem>> -> memref<128xi32, #tpu.memory_space<vmem>>
        %dma_start3A_31 = arith.constant 0 : i32
        %dma_start3A_32 = arith.constant 0 : i32
        %dma_start3A_33 = tpu.memref_slice %arg11[%dma_start3A_31, %dma_start3A_32] : memref<10112x128xf32, #tpu.memory_space<vmem_shared>> -> memref<10112x128xf32, #tpu.memory_space<vmem_shared>>
        tpu.enqueue_indirect_dma source(%arg10 : memref<128x128xf32, #tpu.memory_space<vmem>>) target(%dma_start3A_33 : memref<10112x128xf32, #tpu.memory_space<vmem_shared>>) offsets(%dma_start3A_30 : memref<128xi32, #tpu.memory_space<vmem>>) semaphore(%run_scoped3A : memref<!tpu.dma_semaphore, #tpu.memory_space<semaphore_mem>>) {add = true}
        %dma_wait3A = arith.constant 0 : i32
        %dma_wait3A_34 = tpu.memref_slice %arg9[%scan3A_24, %dma_wait3A] : memref<160x128xi32, #tpu.memory_space<vmem>> -> memref<1x128xi32, #tpu.memory_space<vmem>>
        %dma_wait3A_35 = tpu.memref_squeeze %dma_wait3A_34 : memref<1x128xi32, #tpu.memory_space<vmem>> -> memref<128xi32, #tpu.memory_space<vmem>>
        %dma_wait3A_36 = arith.constant 0 : i32
        %dma_wait3A_37 = arith.constant 0 : i32
        %dma_wait3A_38 = tpu.memref_slice %arg11[%dma_wait3A_36, %dma_wait3A_37] : memref<10112x128xf32, #tpu.memory_space<vmem_shared>> -> memref<10112x128xf32, #tpu.memory_space<vmem_shared>>
        tpu.wait_indirect_dma semaphore(%run_scoped3A : memref<!tpu.dma_semaphore, #tpu.memory_space<semaphore_mem>>) src(%arg10 : memref<128x128xf32, #tpu.memory_space<vmem>>) dst(%dma_wait3A_38 : memref<10112x128xf32, #tpu.memory_space<vmem_shared>>)
        tpu.yield
      }) : () -> ()
    }
    %scan3A_11 = arith.constant 160 : i32
    %barrier3A_12 = arith.constant 0 : index
    tpu.barrier barrier_id(%barrier3A_12)
    %scan3A_13 = arith.constant 1 : i32
    %scan3A_14 = arith.constant 0 : i32
    %scan3A_15 = arith.constant 100000 : i32
    %scan3A_16 = arith.addi %scan3A_14, %scan3A_15 : i32
    %scan3A_17 = arith.constant 1 : i32
    %scan3A_18 = scf.for %scan3A_24 = %scan3A_14 to %scan3A_16 step %scan3A_17 iter_args(%scan3A_25 = %scan3A_13) -> (i32)  : i32 {
      %mul3A_26 = arith.constant 3 : i32
      %mul3A_27 = arith.muli %scan3A_25, %mul3A_26 : i32
      %add3A = arith.constant 1 : i32
      %add3A_28 = arith.addi %mul3A_27, %add3A : i32
      scf.yield %add3A_28 : i32
    }
    %scan3A_19 = arith.constant 100000 : i32
    %broadcast_in_dim3A = vector.broadcast %scan3A_18 : i32 to vector<16xi32>
    %swap3A = arith.constant 0 : index
    %swap3A_20 = tpu.vector_load %arg8[%swap3A] {strides = array<i32>} : memref<128xi32, #tpu.memory_space<vmem>>, vector<16xi32>,
    %swap3A_21 = vector.shape_cast %swap3A_20 : vector<16xi32> to vector<16xi32>
    %swap3A_22 = vector.shape_cast %broadcast_in_dim3A : vector<16xi32> to vector<16xi32>
    tpu.vector_store %arg8[%swap3A], %swap3A_22 {strides = array<i32>} : memref<128xi32, #tpu.memory_space<vmem>>, vector<16xi32>,
    %barrier3A_23 = arith.constant 0 : index
    tpu.barrier barrier_id(%barrier3A_23)
    "tpu.region"() ({
      %run_scoped3A = tpu.sem_alloc : memref<!tpu.dma_semaphore, #tpu.memory_space<semaphore_mem>>
      %dma_start3A = arith.constant 0 : i32
      %dma_start3A_24 = tpu.memref_slice %arg6[%arg0, %mul3A_0, %dma_start3A] : memref<2x10112x128xf32, #tpu.memory_space<hbm>> -> memref<1x632x128xf32, #tpu.memory_space<hbm>>
      %dma_start3A_25 = tpu.memref_squeeze %dma_start3A_24 : memref<1x632x128xf32, #tpu.memory_space<hbm>> -> memref<632x128xf32, #tpu.memory_space<hbm>>
      %dma_start3A_26 = arith.constant 0 : i32
      %dma_start3A_27 = tpu.memref_slice %arg11[%mul3A_0, %dma_start3A_26] : memref<10112x128xf32, #tpu.memory_space<vmem_shared>> -> memref<632x128xf32, #tpu.memory_space<vmem_shared>>
      tpu.enqueue_dma source(%dma_start3A_27 : memref<632x128xf32, #tpu.memory_space<vmem_shared>>) target(%dma_start3A_25 : memref<632x128xf32, #tpu.memory_space<hbm>>) target_semaphore(%run_scoped3A : memref<!tpu.dma_semaphore, #tpu.memory_space<semaphore_mem>>)
      %dma_wait3A = arith.constant 0 : i32
      %dma_wait3A_28 = tpu.memref_slice %arg6[%arg0, %mul3A_0, %dma_wait3A] : memref<2x10112x128xf32, #tpu.memory_space<hbm>> -> memref<1x632x128xf32, #tpu.memory_space<hbm>>
      %dma_wait3A_29 = tpu.memref_squeeze %dma_wait3A_28 : memref<1x632x128xf32, #tpu.memory_space<hbm>> -> memref<632x128xf32, #tpu.memory_space<hbm>>
      %dma_wait3A_30 = arith.constant 0 : i32
      %dma_wait3A_31 = tpu.memref_slice %arg11[%mul3A_0, %dma_wait3A_30] : memref<10112x128xf32, #tpu.memory_space<vmem_shared>> -> memref<632x128xf32, #tpu.memory_space<vmem_shared>>
      tpu.wait_dma2 semaphore(%run_scoped3A : memref<!tpu.dma_semaphore, #tpu.memory_space<semaphore_mem>>) src(%dma_wait3A_31 : memref<632x128xf32, #tpu.memory_space<vmem_shared>>) dst(%dma_wait3A_29 : memref<632x128xf32, #tpu.memory_space<hbm>>)
      tpu.yield
    }) : () -> ()
    return
  }
}

module attributes {stable_mosaic.version = 14 : i64} {
  func.func @_h_body(%arg0: i32, %arg1: i32, %arg2: memref<1x2000x128xf32, #tpu.memory_space<vmem>>, %arg3: memref<1x128x128xf32, #tpu.memory_space<vmem>>, %arg4: memref<1x2000x128xf32, #tpu.memory_space<vmem>>) attributes {dimension_semantics = [#tpu.dimension_semantics<arbitrary>, #tpu.dimension_semantics<arbitrary>], iteration_bounds = array<i64: 2, 5>, scalar_prefetch = 0 : i64, scratch_operands = 0 : i64, tpu.core_type = #tpu.core_type<tc>, window_params = [{transform_indices = @transform_0, window_bounds = array<i64: 1, 2000, 128>}, {transform_indices = @transform_1, window_bounds = array<i64: 1, 128, 128>}, {transform_indices = @transform_2, window_bounds = array<i64: 1, 2000, 128>}]} {
    %get3A = arith.constant 0 : index
    %get3A_0 = arith.constant 0 : index
    %get3A_1 = arith.constant 0 : index
    %get3A_2 = vector.load %arg2[%get3A, %get3A_0, %get3A_1] : memref<1x2000x128xf32, #tpu.memory_space<vmem>>, vector<1x2000x128xf32>
    %get3A_3 = vector.shape_cast %get3A_2 : vector<1x2000x128xf32> to vector<2000x128xf32>
    %get3A_4 = arith.constant 0 : index
    %get3A_5 = arith.constant 0 : index
    %get3A_6 = arith.constant 0 : index
    %get3A_7 = vector.load %arg3[%get3A_4, %get3A_5, %get3A_6] : memref<1x128x128xf32, #tpu.memory_space<vmem>>, vector<1x128x128xf32>
    %get3A_8 = vector.shape_cast %get3A_7 : vector<1x128x128xf32> to vector<128x128xf32>
    %transpose3A = tpu.transpose %get3A_8, [1, 0] : vector<128x128xf32> -> vector<128x128xf32>
    %dot_general3A = arith.constant dense<0.000000e+00> : vector<2000x128xf32>
    %dot_general3A_9 = tpu.matmul %get3A_3, %transpose3A, %dot_general3A {dimension_numbers = #tpu.dot_dimension_numbers<[1], [0], [0], [1], [0, 0, 1, 1], [], []>, transpose_lhs_hint = false} : vector<2000x128xf32>, vector<128x128xf32>, vector<2000x128xf32> -> vector<2000x128xf32>
    %swap3A = arith.constant 0 : index
    %swap3A_10 = arith.constant 0 : index
    %swap3A_11 = arith.constant 0 : index
    %swap3A_12 = vector.load %arg4[%swap3A, %swap3A_10, %swap3A_11] : memref<1x2000x128xf32, #tpu.memory_space<vmem>>, vector<1x2000x128xf32>
    %swap3A_13 = vector.shape_cast %swap3A_12 : vector<1x2000x128xf32> to vector<2000x128xf32>
    %swap3A_14 = vector.shape_cast %dot_general3A_9 : vector<2000x128xf32> to vector<1x2000x128xf32>
    tpu.vector_store %arg4[%swap3A, %swap3A_10, %swap3A_11], %swap3A_14 {strides = array<i32>} : memref<1x2000x128xf32, #tpu.memory_space<vmem>>, vector<1x2000x128xf32>,
    return
  }
  func.func @transform_0(%arg0: i32, %arg1: i32) -> (i32, i32, i32) {
    %c0_i32 = arith.constant 0 : i32
    %c0_i32_0 = arith.constant 0 : i32
    return %arg0, %arg1, %c0_i32 : i32, i32, i32
  }
  func.func @transform_1(%arg0: i32, %arg1: i32) -> (i32, i32, i32) {
    %c0_i32 = arith.constant 0 : i32
    %c0_i32_0 = arith.constant 0 : i32
    %c0_i32_1 = arith.constant 0 : i32
    return %arg0, %c0_i32, %c0_i32_0 : i32, i32, i32
  }
  func.func @transform_2(%arg0: i32, %arg1: i32) -> (i32, i32, i32) {
    %c0_i32 = arith.constant 0 : i32
    %c0_i32_0 = arith.constant 0 : i32
    return %arg0, %arg1, %c0_i32 : i32, i32, i32
  }
}

module attributes {stable_mosaic.version = 14 : i64} {
  func.func @_g_body(%arg0: i32, %arg1: i32, %arg2: memref<1x2000x128xf32, #tpu.memory_space<vmem>>, %arg3: memref<1x2000x16xf32, #tpu.memory_space<vmem>>, %arg4: memref<1x2000x128xf32, #tpu.memory_space<vmem>>) attributes {dimension_semantics = [#tpu.dimension_semantics<arbitrary>, #tpu.dimension_semantics<arbitrary>], iteration_bounds = array<i64: 2, 5>, scalar_prefetch = 0 : i64, scratch_operands = 0 : i64, tpu.core_type = #tpu.core_type<tc>, window_params = [{transform_indices = @transform_0, window_bounds = array<i64: 1, 2000, 128>}, {transform_indices = @transform_1, window_bounds = array<i64: 1, 2000, 16>}, {transform_indices = @transform_2, window_bounds = array<i64: 1, 2000, 128>}]} {
    %get3A = arith.constant 0 : index
    %get3A_0 = arith.constant 0 : index
    %get3A_1 = arith.constant 0 : index
    %get3A_2 = vector.load %arg3[%get3A, %get3A_0, %get3A_1] : memref<1x2000x16xf32, #tpu.memory_space<vmem>>, vector<1x2000x16xf32>
    %get3A_3 = vector.shape_cast %get3A_2 : vector<1x2000x16xf32> to vector<2000x16xf32>
    %slice3A = vector.extract_strided_slice %get3A_3 {offsets = [0, 0], sizes = [2000, 1], strides = [1, 1]} : vector<2000x16xf32> to vector<2000x1xf32>
    %add3A = arith.constant 1.000000e+00 : f32
    %add3A_4 = vector.broadcast %add3A : f32 to vector<2000x1xf32>
    %add3A_5 = arith.addf %slice3A, %add3A_4 : vector<2000x1xf32>
    %rsqrt3A = math.rsqrt %add3A_5 : vector<2000x1xf32>
    %get3A_6 = arith.constant 0 : index
    %get3A_7 = arith.constant 0 : index
    %get3A_8 = arith.constant 0 : index
    %get3A_9 = vector.load %arg2[%get3A_6, %get3A_7, %get3A_8] : memref<1x2000x128xf32, #tpu.memory_space<vmem>>, vector<1x2000x128xf32>
    %get3A_10 = vector.shape_cast %get3A_9 : vector<1x2000x128xf32> to vector<2000x128xf32>
    %mul3A = vector.broadcast %rsqrt3A : vector<2000x1xf32> to vector<2000x128xf32>
    %mul3A_11 = arith.mulf %get3A_10, %mul3A : vector<2000x128xf32>
    %swap3A = arith.constant 0 : index
    %swap3A_12 = arith.constant 0 : index
    %swap3A_13 = arith.constant 0 : index
    %swap3A_14 = vector.load %arg4[%swap3A, %swap3A_12, %swap3A_13] : memref<1x2000x128xf32, #tpu.memory_space<vmem>>, vector<1x2000x128xf32>
    %swap3A_15 = vector.shape_cast %swap3A_14 : vector<1x2000x128xf32> to vector<2000x128xf32>
    %swap3A_16 = vector.shape_cast %mul3A_11 : vector<2000x128xf32> to vector<1x2000x128xf32>
    tpu.vector_store %arg4[%swap3A, %swap3A_12, %swap3A_13], %swap3A_16 {strides = array<i32>} : memref<1x2000x128xf32, #tpu.memory_space<vmem>>, vector<1x2000x128xf32>,
    return
  }
  func.func @transform_0(%arg0: i32, %arg1: i32) -> (i32, i32, i32) {
    %c0_i32 = arith.constant 0 : i32
    %c0_i32_0 = arith.constant 0 : i32
    return %arg0, %arg1, %c0_i32 : i32, i32, i32
  }
  func.func @transform_1(%arg0: i32, %arg1: i32) -> (i32, i32, i32) {
    %c0_i32 = arith.constant 0 : i32
    %c0_i32_0 = arith.constant 0 : i32
    return %arg0, %arg1, %c0_i32 : i32, i32, i32
  }
  func.func @transform_2(%arg0: i32, %arg1: i32) -> (i32, i32, i32) {
    %c0_i32 = arith.constant 0 : i32
    %c0_i32_0 = arith.constant 0 : i32
    return %arg0, %arg1, %c0_i32 : i32, i32, i32
  }
}

module attributes {stable_mosaic.version = 14 : i64} {
  func.func @_mas_body(%arg0: i32, %arg1: i32, %arg2: memref<1x32x40x80xf32, #tpu.memory_space<vmem>>, %arg3: memref<1x128x80xf32, #tpu.memory_space<vmem>>, %arg4: memref<1x1x128xf32, #tpu.memory_space<vmem>>, %arg5: memref<1x32x128xf32, #tpu.memory_space<vmem>>) attributes {dimension_semantics = [#tpu.dimension_semantics<arbitrary>, #tpu.dimension_semantics<arbitrary>], iteration_bounds = array<i64: 4, 5>, scalar_prefetch = 0 : i64, scratch_operands = 0 : i64, tpu.core_type = #tpu.core_type<tc>, window_params = [{transform_indices = @transform_0, window_bounds = array<i64: 1, 32, 40, 80>}, {transform_indices = @transform_1, window_bounds = array<i64: 1, 128, 80>}, {transform_indices = @transform_2, window_bounds = array<i64: 1, 1, 128>}, {transform_indices = @transform_3, window_bounds = array<i64: 1, 32, 128>}]} {
    %get3A = arith.constant 0 : index
    %get3A_0 = arith.constant 0 : index
    %get3A_1 = arith.constant 0 : index
    %get3A_2 = arith.constant 0 : index
    %get3A_3 = vector.load %arg2[%get3A, %get3A_0, %get3A_1, %get3A_2] : memref<1x32x40x80xf32, #tpu.memory_space<vmem>>, vector<1x32x40x80xf32>
    %get3A_4 = vector.shape_cast %get3A_3 : vector<1x32x40x80xf32> to vector<32x40x80xf32>
    %reshape3A = vector.shape_cast %get3A_4 : vector<32x40x80xf32> to vector<1280x80xf32>
    %get3A_5 = arith.constant 0 : index
    %get3A_6 = arith.constant 0 : index
    %get3A_7 = arith.constant 0 : index
    %get3A_8 = vector.load %arg3[%get3A_5, %get3A_6, %get3A_7] : memref<1x128x80xf32, #tpu.memory_space<vmem>>, vector<1x128x80xf32>
    %get3A_9 = vector.shape_cast %get3A_8 : vector<1x128x80xf32> to vector<128x80xf32>
    %transpose3A = tpu.transpose %get3A_9, [1, 0] : vector<128x80xf32> -> vector<80x128xf32>
    %dot_general3A = arith.constant dense<0.000000e+00> : vector<1280x128xf32>
    %dot_general3A_10 = tpu.matmul %reshape3A, %transpose3A, %dot_general3A {dimension_numbers = #tpu.dot_dimension_numbers<[1], [0], [0], [1], [0, 0, 1, 1], [], []>, transpose_lhs_hint = false} : vector<1280x80xf32>, vector<80x128xf32>, vector<1280x128xf32> -> vector<1280x128xf32>
    %get3A_11 = arith.constant 0 : index
    %get3A_12 = arith.constant 0 : index
    %get3A_13 = arith.constant 0 : index
    %get3A_14 = vector.load %arg4[%get3A_11, %get3A_12, %get3A_13] : memref<1x1x128xf32, #tpu.memory_space<vmem>>, vector<1x1x128xf32>
    %get3A_15 = vector.shape_cast %get3A_14 : vector<1x1x128xf32> to vector<128xf32>
    %broadcast_in_dim3A = vector.shape_cast %get3A_15 : vector<128xf32> to vector<1x128xf32>
    %add3A = vector.broadcast %broadcast_in_dim3A : vector<1x128xf32> to vector<1280x128xf32>
    %add3A_16 = arith.addf %dot_general3A_10, %add3A : vector<1280x128xf32>
    %ge3A = arith.constant 0.000000e+00 : f32
    %ge3A_17 = vector.broadcast %ge3A : f32 to vector<1280x128xf32>
    %ge3A_18 = arith.cmpf oge, %add3A_16, %ge3A_17 : vector<1280x128xf32>
    %mul3A = arith.constant 0.00999999977 : f32
    %mul3A_19 = vector.broadcast %mul3A : f32 to vector<1280x128xf32>
    %mul3A_20 = arith.mulf %mul3A_19, %add3A_16 : vector<1280x128xf32>
    %select_n3A = arith.select %ge3A_18, %add3A_16, %mul3A_20 : vector<1280x128xi1>, vector<1280x128xf32>
    %reshape3A_21 = vector.shape_cast %select_n3A : vector<1280x128xf32> to vector<32x40x128xf32>
    %reduce_max3A = arith.constant dense<0xFF800000> : vector<32x128xf32>
    %reduce_max3A_22 = vector.multi_reduction <maximumf>, %reshape3A_21, %reduce_max3A [1] : vector<32x40x128xf32> to vector<32x128xf32>
    %eq3A = arith.constant 0 : i32
    %eq3A_23 = arith.cmpi eq, %arg1, %eq3A : i32
    %convert_element_type3A = arith.extui %eq3A_23 : i1 to i32
    %cond3A = arith.constant 0 : i32
    %cond3A_24 = arith.cmpi ne, %convert_element_type3A, %cond3A : i32
    scf.if %cond3A_24 {
      %broadcast_in_dim3A_35 = arith.constant 0xFF800000 : f32
      %broadcast_in_dim3A_36 = vector.broadcast %broadcast_in_dim3A_35 : f32 to vector<32x128xf32>
      %swap3A_37 = arith.constant 0 : index
      %swap3A_38 = arith.constant 0 : index
      %swap3A_39 = arith.constant 0 : index
      %swap3A_40 = vector.load %arg5[%swap3A_37, %swap3A_38, %swap3A_39] : memref<1x32x128xf32, #tpu.memory_space<vmem>>, vector<1x32x128xf32>
      %swap3A_41 = vector.shape_cast %swap3A_40 : vector<1x32x128xf32> to vector<32x128xf32>
      %swap3A_42 = vector.shape_cast %broadcast_in_dim3A_36 : vector<32x128xf32> to vector<1x32x128xf32>
      tpu.vector_store %arg5[%swap3A_37, %swap3A_38, %swap3A_39], %swap3A_42 {strides = array<i32>} : memref<1x32x128xf32, #tpu.memory_space<vmem>>, vector<1x32x128xf32>,
    } else {
    }
    %get3A_25 = arith.constant 0 : index
    %get3A_26 = arith.constant 0 : index
    %get3A_27 = arith.constant 0 : index
    %get3A_28 = vector.load %arg5[%get3A_25, %get3A_26, %get3A_27] : memref<1x32x128xf32, #tpu.memory_space<vmem>>, vector<1x32x128xf32>
    %get3A_29 = vector.shape_cast %get3A_28 : vector<1x32x128xf32> to vector<32x128xf32>
    %max3A = arith.maximumf %get3A_29, %reduce_max3A_22 : vector<32x128xf32>
    %swap3A = arith.constant 0 : index
    %swap3A_30 = arith.constant 0 : index
    %swap3A_31 = arith.constant 0 : index
    %swap3A_32 = vector.load %arg5[%swap3A, %swap3A_30, %swap3A_31] : memref<1x32x128xf32, #tpu.memory_space<vmem>>, vector<1x32x128xf32>
    %swap3A_33 = vector.shape_cast %swap3A_32 : vector<1x32x128xf32> to vector<32x128xf32>
    %swap3A_34 = vector.shape_cast %max3A : vector<32x128xf32> to vector<1x32x128xf32>
    tpu.vector_store %arg5[%swap3A, %swap3A_30, %swap3A_31], %swap3A_34 {strides = array<i32>} : memref<1x32x128xf32, #tpu.memory_space<vmem>>, vector<1x32x128xf32>,
    return
  }
  func.func @transform_0(%arg0: i32, %arg1: i32) -> (i32, i32, i32, i32) {
    %c0_i32 = arith.constant 0 : i32
    %c0_i32_0 = arith.constant 0 : i32
    %c0_i32_1 = arith.constant 0 : i32
    return %arg0, %c0_i32, %arg1, %c0_i32_0 : i32, i32, i32, i32
  }
  func.func @transform_1(%arg0: i32, %arg1: i32) -> (i32, i32, i32) {
    %c0_i32 = arith.constant 0 : i32
    %c0_i32_0 = arith.constant 0 : i32
    %c0_i32_1 = arith.constant 0 : i32
    return %arg0, %c0_i32, %c0_i32_0 : i32, i32, i32
  }
  func.func @transform_2(%arg0: i32, %arg1: i32) -> (i32, i32, i32) {
    %c0_i32 = arith.constant 0 : i32
    %c0_i32_0 = arith.constant 0 : i32
    %c0_i32_1 = arith.constant 0 : i32
    return %arg0, %c0_i32, %c0_i32_0 : i32, i32, i32
  }
  func.func @transform_3(%arg0: i32, %arg1: i32) -> (i32, i32, i32) {
    %c0_i32 = arith.constant 0 : i32
    %c0_i32_0 = arith.constant 0 : i32
    %c0_i32_1 = arith.constant 0 : i32
    return %arg0, %c0_i32, %c0_i32_0 : i32, i32, i32
  }
}

module attributes {stable_mosaic.version = 14 : i64} {
  func.func @_pool_body(%arg0: i32, %arg1: i32, %arg2: memref<1x2000x128xf32, #tpu.memory_space<vmem>>, %arg3: memref<1x2000x128xf32, #tpu.memory_space<vmem>>, %arg4: memref<1x2000x16xf32, #tpu.memory_space<vmem>>, %arg5: memref<1x1x2000xi32, #tpu.memory_space<vmem>>, %arg6: memref<1x1x128xf32, #tpu.memory_space<vmem>>, %arg7: memref<1x32x128xf32, #tpu.memory_space<vmem>>, %arg8: memref<1x32x128xf32, #tpu.memory_space<vmem>>) attributes {dimension_semantics = [#tpu.dimension_semantics<arbitrary>, #tpu.dimension_semantics<arbitrary>], iteration_bounds = array<i64: 2, 5>, scalar_prefetch = 0 : i64, scratch_operands = 0 : i64, tpu.core_type = #tpu.core_type<tc>, window_params = [{transform_indices = @transform_0, window_bounds = array<i64: 1, 2000, 128>}, {transform_indices = @transform_1, window_bounds = array<i64: 1, 2000, 128>}, {transform_indices = @transform_2, window_bounds = array<i64: 1, 2000, 16>}, {transform_indices = @transform_3, window_bounds = array<i64: 1, 1, 2000>}, {transform_indices = @transform_4, window_bounds = array<i64: 1, 1, 128>}, {transform_indices = @transform_5, window_bounds = array<i64: 1, 32, 128>}, {transform_indices = @transform_6, window_bounds = array<i64: 1, 32, 128>}]} {
    %get3A = arith.constant 0 : index
    %get3A_0 = arith.constant 0 : index
    %get3A_1 = arith.constant 0 : index
    %get3A_2 = vector.load %arg4[%get3A, %get3A_0, %get3A_1] : memref<1x2000x16xf32, #tpu.memory_space<vmem>>, vector<1x2000x16xf32>
    %get3A_3 = vector.shape_cast %get3A_2 : vector<1x2000x16xf32> to vector<2000x16xf32>
    %slice3A = vector.extract_strided_slice %get3A_3 {offsets = [0, 0], sizes = [2000, 1], strides = [1, 1]} : vector<2000x16xf32> to vector<2000x1xf32>
    %add3A = arith.constant 1.000000e+00 : f32
    %add3A_4 = vector.broadcast %add3A : f32 to vector<2000x1xf32>
    %add3A_5 = arith.addf %slice3A, %add3A_4 : vector<2000x1xf32>
    %get3A_6 = arith.constant 0 : index
    %get3A_7 = arith.constant 0 : index
    %get3A_8 = arith.constant 0 : index
    %get3A_9 = vector.load %arg2[%get3A_6, %get3A_7, %get3A_8] : memref<1x2000x128xf32, #tpu.memory_space<vmem>>, vector<1x2000x128xf32>
    %get3A_10 = vector.shape_cast %get3A_9 : vector<1x2000x128xf32> to vector<2000x128xf32>
    %rsqrt3A = math.rsqrt %add3A_5 : vector<2000x1xf32>
    %mul3A = vector.broadcast %rsqrt3A : vector<2000x1xf32> to vector<2000x128xf32>
    %mul3A_11 = arith.mulf %get3A_10, %mul3A : vector<2000x128xf32>
    %get3A_12 = arith.constant 0 : index
    %get3A_13 = arith.constant 0 : index
    %get3A_14 = arith.constant 0 : index
    %get3A_15 = vector.load %arg3[%get3A_12, %get3A_13, %get3A_14] : memref<1x2000x128xf32, #tpu.memory_space<vmem>>, vector<1x2000x128xf32>
    %get3A_16 = vector.shape_cast %get3A_15 : vector<1x2000x128xf32> to vector<2000x128xf32>
    %div3A = vector.broadcast %add3A_5 : vector<2000x1xf32> to vector<2000x128xf32>
    %div3A_17 = arith.divf %get3A_16, %div3A : vector<2000x128xf32>
    %add3A_18 = arith.addf %mul3A_11, %div3A_17 : vector<2000x128xf32>
    %get3A_19 = arith.constant 0 : index
    %get3A_20 = arith.constant 0 : index
    %get3A_21 = arith.constant 0 : index
    %get3A_22 = vector.load %arg6[%get3A_19, %get3A_20, %get3A_21] : memref<1x1x128xf32, #tpu.memory_space<vmem>>, vector<1x1x128xf32>
    %get3A_23 = vector.shape_cast %get3A_22 : vector<1x1x128xf32> to vector<128xf32>
    %broadcast_in_dim3A = vector.shape_cast %get3A_23 : vector<128xf32> to vector<1x128xf32>
    %add3A_24 = vector.broadcast %broadcast_in_dim3A : vector<1x128xf32> to vector<2000x128xf32>
    %add3A_25 = arith.addf %add3A_18, %add3A_24 : vector<2000x128xf32>
    %ge3A = arith.constant 0.000000e+00 : f32
    %ge3A_26 = vector.broadcast %ge3A : f32 to vector<2000x128xf32>
    %ge3A_27 = arith.cmpf oge, %add3A_25, %ge3A_26 : vector<2000x128xf32>
    %mul3A_28 = arith.constant 0.00999999977 : f32
    %mul3A_29 = vector.broadcast %mul3A_28 : f32 to vector<2000x128xf32>
    %mul3A_30 = arith.mulf %mul3A_29, %add3A_25 : vector<2000x128xf32>
    %select_n3A = arith.select %ge3A_27, %add3A_25, %mul3A_30 : vector<2000x128xi1>, vector<2000x128xf32>
    %get3A_31 = arith.constant 0 : index
    %get3A_32 = arith.constant 0 : index
    %get3A_33 = arith.constant 0 : index
    %get3A_34 = vector.load %arg5[%get3A_31, %get3A_32, %get3A_33] : memref<1x1x2000xi32, #tpu.memory_space<vmem>>, vector<1x1x2000xi32>
    %get3A_35 = vector.shape_cast %get3A_34 : vector<1x1x2000xi32> to vector<2000xi32>
    %iota3A = tpu.iota {dimensions = array<i32: 0>} : vector<32x2000xi32>
    %broadcast_in_dim3A_36 = vector.shape_cast %get3A_35 : vector<2000xi32> to vector<1x2000xi32>
    %eq3A = vector.broadcast %broadcast_in_dim3A_36 : vector<1x2000xi32> to vector<32x2000xi32>
    %eq3A_37 = arith.cmpi eq, %iota3A, %eq3A : vector<32x2000xi32>
    %convert_element_type3A = arith.extui %eq3A_37 : vector<32x2000xi1> to vector<32x2000xi32>
    %convert_element_type3A_38 = arith.sitofp %convert_element_type3A : vector<32x2000xi32> to vector<32x2000xf32>
    %dot_general3A = arith.constant dense<0.000000e+00> : vector<32x128xf32>
    %dot_general3A_39 = tpu.matmul %convert_element_type3A_38, %select_n3A, %dot_general3A {dimension_numbers = #tpu.dot_dimension_numbers<[1], [0], [0], [1], [0, 0, 1, 1], [], []>, transpose_lhs_hint = false} : vector<32x2000xf32>, vector<2000x128xf32>, vector<32x128xf32> -> vector<32x128xf32>
    %reduce_sum3A = arith.constant dense<0.000000e+00> : vector<32xf32>
    %reduce_sum3A_40 = vector.multi_reduction <add>, %convert_element_type3A_38, %reduce_sum3A [1] : vector<32x2000xf32> to vector<32xf32>
    %broadcast_in_dim3A_41 = vector.shape_cast %reduce_sum3A_40 : vector<32xf32> to vector<32x1xf32>
    %broadcast_in_dim3A_42 = arith.constant 1.000000e+00 : f32
    %broadcast_in_dim3A_43 = vector.broadcast %broadcast_in_dim3A_42 : f32 to vector<1x128xf32>
    %mul3A_44 = vector.broadcast %broadcast_in_dim3A_41 : vector<32x1xf32> to vector<32x128xf32>
    %mul3A_45 = vector.broadcast %broadcast_in_dim3A_43 : vector<1x128xf32> to vector<32x128xf32>
    %mul3A_46 = arith.mulf %mul3A_44, %mul3A_45 : vector<32x128xf32>
    %eq3A_47 = arith.constant 0 : i32
    %eq3A_48 = arith.cmpi eq, %arg1, %eq3A_47 : i32
    %convert_element_type3A_49 = arith.extui %eq3A_48 : i1 to i32
    %cond3A = arith.constant 0 : i32
    %cond3A_50 = arith.cmpi ne, %convert_element_type3A_49, %cond3A : i32
    scf.if %cond3A_50 {
      %broadcast_in_dim3A_74 = arith.constant 0.000000e+00 : f32
      %broadcast_in_dim3A_75 = vector.broadcast %broadcast_in_dim3A_74 : f32 to vector<32x128xf32>
      %swap3A_76 = arith.constant 0 : index
      %swap3A_77 = arith.constant 0 : index
      %swap3A_78 = arith.constant 0 : index
      %swap3A_79 = vector.load %arg7[%swap3A_76, %swap3A_77, %swap3A_78] : memref<1x32x128xf32, #tpu.memory_space<vmem>>, vector<1x32x128xf32>
      %swap3A_80 = vector.shape_cast %swap3A_79 : vector<1x32x128xf32> to vector<32x128xf32>
      %swap3A_81 = vector.shape_cast %broadcast_in_dim3A_75 : vector<32x128xf32> to vector<1x32x128xf32>
      tpu.vector_store %arg7[%swap3A_76, %swap3A_77, %swap3A_78], %swap3A_81 {strides = array<i32>} : memref<1x32x128xf32, #tpu.memory_space<vmem>>, vector<1x32x128xf32>,
      %broadcast_in_dim3A_82 = arith.constant 0.000000e+00 : f32
      %broadcast_in_dim3A_83 = vector.broadcast %broadcast_in_dim3A_82 : f32 to vector<32x128xf32>
      %swap3A_84 = arith.constant 0 : index
      %swap3A_85 = arith.constant 0 : index
      %swap3A_86 = arith.constant 0 : index
      %swap3A_87 = vector.load %arg8[%swap3A_84, %swap3A_85, %swap3A_86] : memref<1x32x128xf32, #tpu.memory_space<vmem>>, vector<1x32x128xf32>
      %swap3A_88 = vector.shape_cast %swap3A_87 : vector<1x32x128xf32> to vector<32x128xf32>
      %swap3A_89 = vector.shape_cast %broadcast_in_dim3A_83 : vector<32x128xf32> to vector<1x32x128xf32>
      tpu.vector_store %arg8[%swap3A_84, %swap3A_85, %swap3A_86], %swap3A_89 {strides = array<i32>} : memref<1x32x128xf32, #tpu.memory_space<vmem>>, vector<1x32x128xf32>,
    } else {
    }
    %get3A_51 = arith.constant 0 : index
    %get3A_52 = arith.constant 0 : index
    %get3A_53 = arith.constant 0 : index
    %get3A_54 = vector.load %arg7[%get3A_51, %get3A_52, %get3A_53] : memref<1x32x128xf32, #tpu.memory_space<vmem>>, vector<1x32x128xf32>
    %get3A_55 = vector.shape_cast %get3A_54 : vector<1x32x128xf32> to vector<32x128xf32>
    %add3A_56 = arith.addf %get3A_55, %dot_general3A_39 : vector<32x128xf32>
    %swap3A = arith.constant 0 : index
    %swap3A_57 = arith.constant 0 : index
    %swap3A_58 = arith.constant 0 : index
    %swap3A_59 = vector.load %arg7[%swap3A, %swap3A_57, %swap3A_58] : memref<1x32x128xf32, #tpu.memory_space<vmem>>, vector<1x32x128xf32>
    %swap3A_60 = vector.shape_cast %swap3A_59 : vector<1x32x128xf32> to vector<32x128xf32>
    %swap3A_61 = vector.shape_cast %add3A_56 : vector<32x128xf32> to vector<1x32x128xf32>
    tpu.vector_store %arg7[%swap3A, %swap3A_57, %swap3A_58], %swap3A_61 {strides = array<i32>} : memref<1x32x128xf32, #tpu.memory_space<vmem>>, vector<1x32x128xf32>,
    %get3A_62 = arith.constant 0 : index
    %get3A_63 = arith.constant 0 : index
    %get3A_64 = arith.constant 0 : index
    %get3A_65 = vector.load %arg8[%get3A_62, %get3A_63, %get3A_64] : memref<1x32x128xf32, #tpu.memory_space<vmem>>, vector<1x32x128xf32>
    %get3A_66 = vector.shape_cast %get3A_65 : vector<1x32x128xf32> to vector<32x128xf32>
    %add3A_67 = arith.addf %get3A_66, %mul3A_46 : vector<32x128xf32>
    %swap3A_68 = arith.constant 0 : index
    %swap3A_69 = arith.constant 0 : index
    %swap3A_70 = arith.constant 0 : index
    %swap3A_71 = vector.load %arg8[%swap3A_68, %swap3A_69, %swap3A_70] : memref<1x32x128xf32, #tpu.memory_space<vmem>>, vector<1x32x128xf32>
    %swap3A_72 = vector.shape_cast %swap3A_71 : vector<1x32x128xf32> to vector<32x128xf32>
    %swap3A_73 = vector.shape_cast %add3A_67 : vector<32x128xf32> to vector<1x32x128xf32>
    tpu.vector_store %arg8[%swap3A_68, %swap3A_69, %swap3A_70], %swap3A_73 {strides = array<i32>} : memref<1x32x128xf32, #tpu.memory_space<vmem>>, vector<1x32x128xf32>,
    return
  }
  func.func @transform_0(%arg0: i32, %arg1: i32) -> (i32, i32, i32) {
    %c0_i32 = arith.constant 0 : i32
    %c0_i32_0 = arith.constant 0 : i32
    return %arg0, %arg1, %c0_i32 : i32, i32, i32
  }
  func.func @transform_1(%arg0: i32, %arg1: i32) -> (i32, i32, i32) {
    %c0_i32 = arith.constant 0 : i32
    %c0_i32_0 = arith.constant 0 : i32
    return %arg0, %arg1, %c0_i32 : i32, i32, i32
  }
  func.func @transform_2(%arg0: i32, %arg1: i32) -> (i32, i32, i32) {
    %c0_i32 = arith.constant 0 : i32
    %c0_i32_0 = arith.constant 0 : i32
    return %arg0, %arg1, %c0_i32 : i32, i32, i32
  }
  func.func @transform_3(%arg0: i32, %arg1: i32) -> (i32, i32, i32) {
    %mul3A = arith.constant 5 : i32
    %mul3A_0 = arith.muli %arg0, %mul3A : i32
    %add3A = arith.addi %mul3A_0, %arg1 : i32
    %c0_i32 = arith.constant 0 : i32
    %c0_i32_1 = arith.constant 0 : i32
    %c0_i32_2 = arith.constant 0 : i32
    return %add3A, %c0_i32, %c0_i32_1 : i32, i32, i32
  }
  func.func @transform_4(%arg0: i32, %arg1: i32) -> (i32, i32, i32) {
    %c0_i32 = arith.constant 0 : i32
    %c0_i32_0 = arith.constant 0 : i32
    %c0_i32_1 = arith.constant 0 : i32
    return %arg0, %c0_i32, %c0_i32_0 : i32, i32, i32
  }
  func.func @transform_5(%arg0: i32, %arg1: i32) -> (i32, i32, i32) {
    %c0_i32 = arith.constant 0 : i32
    %c0_i32_0 = arith.constant 0 : i32
    %c0_i32_1 = arith.constant 0 : i32
    return %arg0, %c0_i32, %c0_i32_0 : i32, i32, i32
  }
  func.func @transform_6(%arg0: i32, %arg1: i32) -> (i32, i32, i32) {
    %c0_i32 = arith.constant 0 : i32
    %c0_i32_0 = arith.constant 0 : i32
    %c0_i32_1 = arith.constant 0 : i32
    return %arg0, %c0_i32, %c0_i32_0 : i32, i32, i32
  }
}

module attributes {stable_mosaic.version = 14 : i64} {
  func.func @_final_body(%arg0: memref<2x32x128xf32, #tpu.memory_space<vmem>>, %arg1: memref<2x32x128xf32, #tpu.memory_space<vmem>>, %arg2: memref<2x128x128xf32, #tpu.memory_space<vmem>>, %arg3: memref<2x128xf32, #tpu.memory_space<vmem>>, %arg4: memref<4x32x128xf32, #tpu.memory_space<vmem>>, %arg5: memref<1x768xf32, #tpu.memory_space<vmem>>, %arg6: memref<1xf32, #tpu.memory_space<vmem>>, %arg7: memref<32x1xf32, #tpu.memory_space<vmem>>) attributes {dimension_semantics = [], scalar_prefetch = 0 : i64, scratch_operands = 0 : i64, tpu.core_type = #tpu.core_type<tc>} {
    %get3A = arith.constant 0 : index
    %get3A_0 = arith.constant 0 : index
    %get3A_1 = arith.constant 0 : index
    %get3A_2 = vector.load %arg0[%get3A, %get3A_0, %get3A_1] : memref<2x32x128xf32, #tpu.memory_space<vmem>>, vector<2x32x128xf32>
    %get3A_3 = arith.constant 0 : index
    %get3A_4 = arith.constant 0 : index
    %get3A_5 = arith.constant 0 : index
    %get3A_6 = vector.load %arg1[%get3A_3, %get3A_4, %get3A_5] : memref<2x32x128xf32, #tpu.memory_space<vmem>>, vector<2x32x128xf32>
    %max3A = arith.constant 1.000000e+00 : f32
    %max3A_7 = vector.broadcast %max3A : f32 to vector<2x32x128xf32>
    %max3A_8 = arith.maximumf %get3A_6, %max3A_7 : vector<2x32x128xf32>
    %div3A = arith.divf %get3A_2, %max3A_8 : vector<2x32x128xf32>
    %slice3A = vector.extract_strided_slice %div3A {offsets = [0, 0, 0], sizes = [1, 32, 128], strides = [1, 1, 1]} : vector<2x32x128xf32> to vector<1x32x128xf32>
    %squeeze3A = vector.shape_cast %slice3A : vector<1x32x128xf32> to vector<32x128xf32>
    %get3A_9 = arith.constant 0 : index
    %get3A_10 = arith.constant 0 : index
    %get3A_11 = arith.constant 0 : index
    %get3A_12 = vector.load %arg2[%get3A_9, %get3A_10, %get3A_11] : memref<2x128x128xf32, #tpu.memory_space<vmem>>, vector<1x128x128xf32>
    %get3A_13 = vector.shape_cast %get3A_12 : vector<1x128x128xf32> to vector<128x128xf32>
    %transpose3A = tpu.transpose %get3A_13, [1, 0] : vector<128x128xf32> -> vector<128x128xf32>
    %dot_general3A = arith.constant dense<0.000000e+00> : vector<32x128xf32>
    %dot_general3A_14 = tpu.matmul %squeeze3A, %transpose3A, %dot_general3A {dimension_numbers = #tpu.dot_dimension_numbers<[1], [0], [0], [1], [0, 0, 1, 1], [], []>, transpose_lhs_hint = false} : vector<32x128xf32>, vector<128x128xf32>, vector<32x128xf32> -> vector<32x128xf32>
    %get3A_15 = arith.constant 0 : index
    %get3A_16 = arith.constant 0 : index
    %get3A_17 = vector.load %arg3[%get3A_15, %get3A_16] : memref<2x128xf32, #tpu.memory_space<vmem>>, vector<1x128xf32>
    %get3A_18 = vector.shape_cast %get3A_17 : vector<1x128xf32> to vector<128xf32>
    %broadcast_in_dim3A = vector.shape_cast %get3A_18 : vector<128xf32> to vector<1x128xf32>
    %add3A = vector.broadcast %broadcast_in_dim3A : vector<1x128xf32> to vector<32x128xf32>
    %add3A_19 = arith.addf %dot_general3A_14, %add3A : vector<32x128xf32>
    %ge3A = arith.constant 0.000000e+00 : f32
    %ge3A_20 = vector.broadcast %ge3A : f32 to vector<32x128xf32>
    %ge3A_21 = arith.cmpf oge, %add3A_19, %ge3A_20 : vector<32x128xf32>
    %mul3A = arith.constant 0.00999999977 : f32
    %mul3A_22 = vector.broadcast %mul3A : f32 to vector<32x128xf32>
    %mul3A_23 = arith.mulf %mul3A_22, %add3A_19 : vector<32x128xf32>
    %select_n3A = arith.select %ge3A_21, %add3A_19, %mul3A_23 : vector<32x128xi1>, vector<32x128xf32>
    %slice3A_24 = vector.extract_strided_slice %div3A {offsets = [1, 0, 0], sizes = [1, 32, 128], strides = [1, 1, 1]} : vector<2x32x128xf32> to vector<1x32x128xf32>
    %squeeze3A_25 = vector.shape_cast %slice3A_24 : vector<1x32x128xf32> to vector<32x128xf32>
    %get3A_26 = arith.constant 1 : index
    %get3A_27 = arith.constant 0 : index
    %get3A_28 = arith.constant 0 : index
    %get3A_29 = vector.load %arg2[%get3A_26, %get3A_27, %get3A_28] : memref<2x128x128xf32, #tpu.memory_space<vmem>>, vector<1x128x128xf32>
    %get3A_30 = vector.shape_cast %get3A_29 : vector<1x128x128xf32> to vector<128x128xf32>
    %transpose3A_31 = tpu.transpose %get3A_30, [1, 0] : vector<128x128xf32> -> vector<128x128xf32>
    %dot_general3A_32 = arith.constant dense<0.000000e+00> : vector<32x128xf32>
    %dot_general3A_33 = tpu.matmul %squeeze3A_25, %transpose3A_31, %dot_general3A_32 {dimension_numbers = #tpu.dot_dimension_numbers<[1], [0], [0], [1], [0, 0, 1, 1], [], []>, transpose_lhs_hint = false} : vector<32x128xf32>, vector<128x128xf32>, vector<32x128xf32> -> vector<32x128xf32>
    %get3A_34 = arith.constant 1 : index
    %get3A_35 = arith.constant 0 : index
    %get3A_36 = vector.load %arg3[%get3A_34, %get3A_35] : memref<2x128xf32, #tpu.memory_space<vmem>>, vector<1x128xf32>
    %get3A_37 = vector.shape_cast %get3A_36 : vector<1x128xf32> to vector<128xf32>
    %broadcast_in_dim3A_38 = vector.shape_cast %get3A_37 : vector<128xf32> to vector<1x128xf32>
    %add3A_39 = vector.broadcast %broadcast_in_dim3A_38 : vector<1x128xf32> to vector<32x128xf32>
    %add3A_40 = arith.addf %dot_general3A_33, %add3A_39 : vector<32x128xf32>
    %ge3A_41 = arith.constant 0.000000e+00 : f32
    %ge3A_42 = vector.broadcast %ge3A_41 : f32 to vector<32x128xf32>
    %ge3A_43 = arith.cmpf oge, %add3A_40, %ge3A_42 : vector<32x128xf32>
    %mul3A_44 = arith.constant 0.00999999977 : f32
    %mul3A_45 = vector.broadcast %mul3A_44 : f32 to vector<32x128xf32>
    %mul3A_46 = arith.mulf %mul3A_45, %add3A_40 : vector<32x128xf32>
    %select_n3A_47 = arith.select %ge3A_43, %add3A_40, %mul3A_46 : vector<32x128xi1>, vector<32x128xf32>
    %get3A_48 = arith.constant 0 : index
    %get3A_49 = arith.constant 0 : index
    %get3A_50 = arith.constant 0 : index
    %get3A_51 = vector.load %arg4[%get3A_48, %get3A_49, %get3A_50] : memref<4x32x128xf32, #tpu.memory_space<vmem>>, vector<1x32x128xf32>
    %get3A_52 = vector.shape_cast %get3A_51 : vector<1x32x128xf32> to vector<32x128xf32>
    %get3A_53 = arith.constant 1 : index
    %get3A_54 = arith.constant 0 : index
    %get3A_55 = arith.constant 0 : index
    %get3A_56 = vector.load %arg4[%get3A_53, %get3A_54, %get3A_55] : memref<4x32x128xf32, #tpu.memory_space<vmem>>, vector<1x32x128xf32>
    %get3A_57 = vector.shape_cast %get3A_56 : vector<1x32x128xf32> to vector<32x128xf32>
    %get3A_58 = arith.constant 2 : index
    %get3A_59 = arith.constant 0 : index
    %get3A_60 = arith.constant 0 : index
    %get3A_61 = vector.load %arg4[%get3A_58, %get3A_59, %get3A_60] : memref<4x32x128xf32, #tpu.memory_space<vmem>>, vector<1x32x128xf32>
    %get3A_62 = vector.shape_cast %get3A_61 : vector<1x32x128xf32> to vector<32x128xf32>
    %get3A_63 = arith.constant 3 : index
    %get3A_64 = arith.constant 0 : index
    %get3A_65 = arith.constant 0 : index
    %get3A_66 = vector.load %arg4[%get3A_63, %get3A_64, %get3A_65] : memref<4x32x128xf32, #tpu.memory_space<vmem>>, vector<1x32x128xf32>
    %get3A_67 = vector.shape_cast %get3A_66 : vector<1x32x128xf32> to vector<32x128xf32>
    %concatenate3A = tpu.concatenate %select_n3A, %select_n3A_47, %get3A_52, %get3A_57, %get3A_62, %get3A_67 in 1 : vector<32x128xf32>, vector<32x128xf32>, vector<32x128xf32>, vector<32x128xf32>, vector<32x128xf32>, vector<32x128xf32> -> vector<32x768xf32>
    %get3A_68 = arith.constant 0 : index
    %get3A_69 = arith.constant 0 : index
    %get3A_70 = vector.load %arg5[%get3A_68, %get3A_69] : memref<1x768xf32, #tpu.memory_space<vmem>>, vector<1x768xf32>
    %mul3A_71 = vector.broadcast %get3A_70 : vector<1x768xf32> to vector<32x768xf32>
    %mul3A_72 = arith.mulf %concatenate3A, %mul3A_71 : vector<32x768xf32>
    %reduce_sum3A = arith.constant dense<0.000000e+00> : vector<32xf32>
    %reduce_sum3A_73 = vector.multi_reduction <add>, %mul3A_72, %reduce_sum3A [1] : vector<32x768xf32> to vector<32xf32>
    %broadcast_in_dim3A_74 = vector.shape_cast %reduce_sum3A_73 : vector<32xf32> to vector<32x1xf32>
    %get3A_75 = arith.constant 0 : index
    %get3A_76 = vector.load %arg6[%get3A_75] : memref<1xf32, #tpu.memory_space<vmem>>, vector<1xf32>
    %broadcast_in_dim3A_77 = vector.shape_cast %get3A_76 : vector<1xf32> to vector<1x1xf32>
    %add3A_78 = vector.broadcast %broadcast_in_dim3A_77 : vector<1x1xf32> to vector<32x1xf32>
    %add3A_79 = arith.addf %broadcast_in_dim3A_74, %add3A_78 : vector<32x1xf32>
    %swap3A = arith.constant 0 : index
    %swap3A_80 = arith.constant 0 : index
    %swap3A_81 = vector.load %arg7[%swap3A, %swap3A_80] : memref<32x1xf32, #tpu.memory_space<vmem>>, vector<32x1xf32>
    tpu.vector_store %arg7[%swap3A, %swap3A_80], %add3A_79 {strides = array<i32>} : memref<32x1xf32, #tpu.memory_space<vmem>>, vector<32x1xf32>,
    return
  }
}

</mosaic_0001>

<sc_bundles>
// kernel: kernel.12.cloned.1.call-start
scs
__scs_entry_jumppad:
0x0: {  	(pc) =	sbr.rel $0x88, $3  }
0x1: {  	(tag) =	ssettag $0x0;
	lr =	simm.s32 $0x1  }
0x2: {  	[smem:$0x3F85] =	sst lr;
	_ =	strace $0xD0000000  }
0x3: {  	_ = 	snop  }
0x4: {  	_ = 	snop  }
0x5: {  	_ = 	snop  }
0x6: {  	_ = 	snop  }
0x7: {  	_ = 	snop  }
__scs_overlays_trampoline_lowered:
0x8: {  	[smem:$0x3F94] =	sst s0  }
0x9: {  	[smem:$0x3F95] =	sst s1  }
0xa: {  	[smem:$0x3F96] =	sst s2  }
0xb: {  	[smem:$0x3F97] =	sst s3  }
0xc: {  	[smem:$0x3F98] =	sst s4  }
0xd: {  	[smem:$0x3F99] =	sst s5  }
0xe: {  	[smem:$0x3F9A] =	sst s6  }
0xf: {  	[smem:$0x3F9B] =	sst s7  }
0x10: {  	[smem:$0x3F9C] =	sst s8  }
0x11: {  	[smem:$0x3F9D] =	sst s9;
	s0 =	simm.s32 @!p0 $0x0  }
0x12: {  	s1 =	sld [smem:$0x3F83];
	s0 =	simm.s32 @p0 $0x1  }
0x13: {  	[smem:$0x3F9E] =	sst s0;
	s0 =	simm.s32 @!p1 $0x0  }
0x14: {  	s2 =	sld [smem:$0x3F82];
	s0 =	simm.s32 @p1 $0x1  }
0x15: {  	[smem:$0x3F9F] =	sst s0;
	s0 =	simm.s32 @!p2 $0x0  }
0x16: {  	s3 =	sld [smem:$0x3FDB];
	s0 =	simm.s32 @p2 $0x1  }
0x17: {  	s4 =	simm.s32 $0x1BF5;
	[smem:$0x3FA1] =	sst s0  }
0x18: {  	s0 =	sld [smem:$0x3F84];
	_ =	swait.ge [sflag:s4], $0x0  }
0x19: {  	s7 =	sld [smem:$0x3F85]  }
0x1a: {  	s8 =	sadd.s32 $0xFFFFE003, lr  }
0x1b: {  	s9 =	sadd.s32 $0xFFFFFEF7, lr;
	s5 =	simm.s32 $0xFFFFFFFF;
	p2 =	slt.u32 s8, $0xFFFFF086  }
0x1c: {  	p1 =	slt.u32 s9, $0xF7A;
	s5 =	simm.s32 @!p2 $0x0  }
0x1d: {  	s5 =	simm.s32 @p1 $0x1;
	p0 =	seq.s32 s7, s2  }
0x1e: {  	s7 =	smul.u32 @!p0 $0xF7A, s2;
	p2 =	seq.s32 @!p0 s5, $0x0  }
0x1f: {  	s9 =	smul.u32 $0xF7A, s1;
	s8 =	simm.s32 @!p0 $0x1BF5;
	p2 =	por !p2, p0  }
0x20: {  	[sflag:s8] =	ssyncset.s32 @!p0 $0xFFFFF086;
	s6 =	sadd.s32 @!p0 s3, s7;
	s7 =	simm.s32 @!p0 $0x108  }
0x21: {  	s3 =	sadd.s32 s3, s9;
	s6 =	sadd.s32 @!p0 $0x88, s6;
	s7 =	simm.s32 @p2 $0x1082  }
0x22: {  	[simem:s7], [sflag:s8] =	dma.local @!p0 [hbm:s6], $0xF7A  }
0x23: {  	s9 =	sor.u32 $0xD0000000, s2;
	s6 =	simm.s32 $0x108;
	_ =	swait.ge @!p0 [sflag:s8], $0x0  }
0x24: {  	s3 =	sadd.s32 $0x88, s3;
	s6 =	simm.s32 @!p1 $0x1082;
	[sflag:s4] =	ssyncset.s32 $0xFFFFF086  }
0x25: {  	[simem:s6], [sflag:s4] =	dma.local [hbm:s3], $0xF7A  }
0x26: {  	[smem:$0x3F85] =	sst s1;
	(tag) =	ssettag s2;
	_ =	strace s9  }
0x27: {  	s1 =	sld [smem:$0x3F95]  }
0x28: {  	s2 =	sld [smem:$0x3F96]  }
0x29: {  	s4 =	sld [smem:$0x3F98]  }
0x2a: {  	p0 =	seq.s32 s5, $0x0;
	s5 =	sld [smem:$0x3F99]  }
0x2b: {  	s6 =	sld [smem:$0x3F9A]  }
0x2c: {  	s7 =	sld [smem:$0x3F9B]  }
0x2d: {  	s3 =	simm.s32 $0x108;
	s8 =	sld [smem:$0x3F9C]  }
0x2e: {  	s3 =	simm.s32 @!p0 $0x1082;
	s9 =	sld [smem:$0x3F9D]  }
0x2f: {  	lr =	sadd.s32 s0, s3;
	s0 =	sld [smem:$0x3F94]  }
0x30: {  	s3 =	sld [smem:$0x3F97]  }
0x31: {  	[smem:$0x3FA0] =	sst s10  }
0x32: {  	s10 =	sld [smem:$0x3F9E];
	_ =	sdelay $0x3  }
0x33: {  	p0 =	seq.s32 s10, $0x1;
	s10 =	sld [smem:$0x3FA0];
	_ =	sdelay $0x3  }
0x34: {  	[smem:$0x3FA0] =	sst s10  }
0x35: {  	s10 =	sld [smem:$0x3F9F];
	_ =	sdelay $0x3  }
0x36: {  	p1 =	seq.s32 s10, $0x1;
	s10 =	sld [smem:$0x3FA0];
	_ =	sdelay $0x3  }
0x37: {  	[smem:$0x3FA0] =	sst s10  }
0x38: {  	s10 =	sld [smem:$0x3FA1]  }
0x39: {  	_ = 	snop;
	(pc) =	sbr.ind lr, $3  }
0x3a: {  	_ = 	snop  }
0x3b: {  	_ = 	snop  }
0x3c: {  	p2 =	seq.s32 s10, $0x1;
	s10 =	sld [smem:$0x3FA0]  }
0x3d: {  	_ =	shalt  }
0x3e: {  	_ =	shalt  }
0x3f: {  	_ =	shalt  }
0x40: {  	_ =	shalt  }
0x41: {  	_ =	shalt  }
0x42: {  	_ =	shalt  }
0x43: {  	_ =	shalt  }
0x44: {  	_ =	shalt  }
0x45: {  	_ =	shalt  }
0x46: {  	_ =	shalt  }
0x47: {  	_ =	shalt  }
0x48: {  	_ =	shalt  }
0x49: {  	_ =	shalt  }
0x4a: {  	_ =	shalt  }
0x4b: {  	_ =	shalt  }
0x4c: {  	_ =	shalt  }
0x4d: {  	_ =	shalt  }
0x4e: {  	_ =	shalt  }
0x4f: {  	_ =	shalt  }
0x50: {  	_ =	shalt  }
0x51: {  	_ =	shalt  }
0x52: {  	_ =	shalt  }
0x53: {  	_ =	shalt  }
0x54: {  	_ =	shalt  }
0x55: {  	_ =	shalt  }
0x56: {  	_ =	shalt  }
0x57: {  	_ =	shalt  }
0x58: {  	_ =	shalt  }
0x59: {  	_ =	shalt  }
0x5a: {  	_ =	shalt  }
0x5b: {  	_ =	shalt  }
0x5c: {  	_ =	shalt  }
0x5d: {  	_ =	shalt  }
0x5e: {  	_ =	shalt  }
0x5f: {  	_ =	shalt  }
0x60: {  	_ =	shalt  }
0x61: {  	_ =	shalt  }
0x62: {  	_ =	shalt  }
0x63: {  	_ =	shalt  }
0x64: {  	_ =	shalt  }
0x65: {  	_ =	shalt  }
0x66: {  	_ =	shalt  }
0x67: {  	_ =	shalt  }
0x68: {  	_ =	shalt  }
0x69: {  	_ =	shalt  }
0x6a: {  	_ =	shalt  }
0x6b: {  	_ =	shalt  }
0x6c: {  	_ =	shalt  }
0x6d: {  	_ =	shalt  }
0x6e: {  	_ =	shalt  }
0x6f: {  	_ =	shalt  }
0x70: {  	_ =	shalt  }
0x71: {  	_ =	shalt  }
0x72: {  	_ =	shalt  }
0x73: {  	_ =	shalt  }
0x74: {  	_ =	shalt  }
0x75: {  	_ =	shalt  }
0x76: {  	_ =	shalt  }
0x77: {  	_ =	shalt  }
0x78: {  	_ =	shalt  }
0x79: {  	_ =	shalt  }
0x7a: {  	_ =	shalt  }
0x7b: {  	_ =	shalt  }
0x7c: {  	_ =	shalt  }
0x7d: {  	_ =	shalt  }
0x7e: {  	_ =	shalt  }
0x7f: {  	_ =	shalt  }
0x80: {  	_ =	shalt  }
0x81: {  	_ =	shalt  }
0x82: {  	_ =	shalt  }
0x83: {  	_ =	shalt  }
0x84: {  	_ =	shalt  }
0x85: {  	_ =	shalt  }
0x86: {  	_ =	shalt  }
0x87: {  	_ =	shalt  }
.Lfunc_end0:
.L_simem_size_0:
called_computation.1_lowered:
.L_overlay_start_0:
0x88: {  	s2 =	sld [smem:$0x3FD9]  }
0x89: {  	s3 =	sld [smem:$0x3FFE];
	_ =	sdelay $0x1  }
0x8a: {  	s1 =	srdreg.scid  }
0x8b: {  	s0 =	sand.u32 $0x1, s1  }
0x8c: {  	s16 =	sshll.u32 s0, $0xA;
	s2 =	sadd.s32 s3, s2  }
0x8d: {  	s2 =	sadd.s32 s2, s16  }
0x8e: {  	[smem:$0x3FAC] =	sst s2  }
0x8f: {  	_ = 	snop  }
0x90: {  	(tm) =	ssettm $0x1  }
0x91: {  	s17 =	sld [smem:$0x3FFB];
	_ =	sdelay $0x3  }
0x92: {  	_ =	strace s17  }
0x93: {  	s2 =	sld [smem:$0x3FFC];
	_ =	sdelay $0x3  }
0x94: {  	_ =	strace s2  }
0x95: {  	s2 =	sld [smem:$0x3FFD];
	_ =	sdelay $0x3  }
0x96: {  	_ =	strace s2  }
0x97: {  	_ =	strace $0x8FFFFFFF  }
0x98: {  	s18 =	sld [smem:$0x3FDB];
	_ =	sdelay $0x1  }
0x99: {  	s19 =	simm.s32 $_scs_section_size  }
0x9a: {  	s4 =	simm.s32 $_size__tile_overlayer_lowered;
	s5 =	simm.s32 $_tile_overlayer_lowered  }
0x9b: {  	s22 =	simm.s32 $0x1BFF;
	s21 =	sshll.u32 s5, $0x1;
	s2 =	sadd.s32 s19, s18  }
0x9c: {  	s6 =	simm.s32 $0x0;
	s20 =	sshll.u32 s4, $0x1;
	s4 =	sadd.s32 s21, s2  }
0x9d: {  	[timem:s6], [sflag:s22] =	dma.local [hbm:s4], s20  }
0x9e: {  	_ =	swait.ge [sflag:s22], s20  }
0x9f: {  	s3 =	ssub.s32 $0x0, s20;
	[sflag:s22] =	ssyncset.done $0x0  }
0xa0: {  	[sflag:s22] =	ssyncadd.s32 s3;
	_ =	sdelay $0x1  }
0xa1: {  	s23 =	simm.s32 $0x1B8B  }
0xa2: {  	_ =	swait.ge [sflag:s23], $0x1  }
0xa3: {  	[sflag:s23] =	ssyncset.done $0x0  }
0xa4: {  	s25 =	simm.s32 $0x1B8E;
	s24 =	sld [smem:$0x3FFE];
	[sflag:s23] =	ssyncadd.s32 $0xFFFFFFFF  }
0xa5: {  	s26 =	simm.s32 $execute0_lowered;
	[smem:$0x3FD2] =	sst s25  }
0xa6: {  	s4 =	sshll.u32 s26, $0x1;
	_ =	strace $0x80000049;
	[dreg:$0x1] =	wrdreg $0xFFFFFFFF  }
0xa7: {  	s28 =	simm.s32 $_size_execute0_lowered;
	s2 =	sadd.s32 s2, s4;
	[dreg:$0x0] =	wrdreg $0x0  }
0xa8: {  	s4 =	sshll.u32 s28, $0x1;
	[dreg:$0x2] =	wrdreg s2  }
0xa9: {  	[dreg:$0x3] =	wrdreg s4  }
0xaa: {  	[dreg:$0x4] =	wrdreg $0xC0  }
0xab: {  	_ =	task [dreg:s6], $0x5FFFF  }
0xac: {  	[dreg:$0x1] =	wrdreg $0xFFFFFFFF  }
0xad: {  	[dreg:$0x0] =	wrdreg $0x60  }
0xae: {  	[dreg:$0x2] =	wrdreg s24  }
0xaf: {  	[dreg:$0x3] =	wrdreg $0x90800  }
0xb0: {  	[dreg:$0x4] =	wrdreg $0x9  }
0xb1: {  	_ =	task.clear_ibuf [dreg:s6], $0x5FFFF;
	_ =	strace $0x90000049  }
0xb2: {  	s29 =	simm.s32 $0x9;
	_ =	strace $0x8000004B  }
0xb3: {  	_ =	swait.ge [sflag:s29], $0x1  }
0xb4: {  	[sflag:s29] =	ssyncadd.s32 $0xFFFFFFFF  }
0xb5: {  	_ =	strace $0x9000004B  }
0xb6: {  	_ =	sfence  }
0xb7: {  	s30 =	sld [smem:$0x0];
	_ =	sdelay $0x2  }
0xb8: {  	s31 =	sshll.u32 s1, $0xD;
	s1 =	sshrl.u32 s1, $0x2  }
0xb9: {  	s3 =	sand.u32 $0x4000, s31;
	s1 =	sadd.s32 s1, s30  }
0xba: {  	s0 =	sor.u32 s3, s0;
	s1 =	sshll.u32 s1, $0x11  }
0xbb: {  	s0 =	sor.u32 s1, s0  }
0xbc: {  	s0 =	sadd.s32 $0x8F2B, s0  }
0xbd: {  	[sflag:s0] =	ssyncadd.remote.s32 $0x1  }
0xbe: {  	_ =	sfence.sel $0xFFFF  }
0xbf: {  	[dreg:$0x0] =	wrdreg $0xFFFFFFFF;
	(pc) =	sbr.abs _section_cstart, $3  }
0xc0: {  	[dreg:$0x1] =	wrdreg $0xFFFFFFFF  }
0xc1: {  	_ =	task.clear_ibuf [dreg:s6], $0x2FFFF;
	_ =	strace $0x9FFFFFFF  }
0xc2: {  	(tm) =	ssettm $0x7FFFFFFF  }
0xc3: {  	_ =	shalt  }
tec
execute0_lowered:
.L_overlay_start_1:
0x0: {  	(tag) =	ssettag $0x1  }
0x1: {  	s1 =	stileid.u32  }
0x2: {  	s7 =	rddreg [dreg:$0x0];
	s5 =	smul.u32 $0x5000, s1  }
0x3: {  	s0 =	srdreg.scid;
	s9 =	smul.u32 $0x13C00, s1  }
0x4: {  	s2 =	rddreg [dreg:$0x1];
	s3 =	simm.s32 $0x0;
	s14 =	smul.u32 $0x280000, s1  }
0x5: {  	s17 =	simm.s32 $0x1;
	s8 =	sand.u32 $0x1, s0;
	s24 =	smul.u32 $0x4F000, s1  }
0x6: {  	s18 =	simm.s32 $0x0;
	s0 =	rddreg [dreg:$0x2];
	s4 =	smul.u32 $0x50000, s8  }
0x7: {  	[smem:$0x7FF] =	sst s3;
	s31 =	sshll.u32 s1, $0x6;
	s10 =	smul.u32 $0x13C000, s8  }
0x8: {  	_ =	strace $0x8000004A;
	s11 =	smul.u32 $0x2800000, s8;
	s8 =	ssub.s32 $0x2, s8  }
0x9: {  	s13 =	sshrl.u32 s9, $0x3;
	s28 =	sshrl.u32 s8, $0x1;
	s29 =	sshrl.u32 s24, $0x2  }
0xa: {  	s4 =	sadd.s32 s5, s4;
	s5 =	sadd.s32 $0x8EC00, s7;
	s13 =	sadd.s32 s13, s7  }
0xb: {  	s9 =	sadd.s32 s9, s10;
	s23 =	sadd.s32 s14, s11;
	s30 =	ssub.s32 s8, s28  }
0xc: {  	s16 =	sadd.s32 s29, s2;
	s8 =	sor.u32 $0x1C02, s31;
	s14 =	simm.s32 $0x2  }
0xd: {  	s6 =	sshrl.u32 s4, $0x3;
	s9 =	sshrl.u32 s9, $0x3;
	s26 =	sshrl.u32 s23, $0x3  }
0xe: {  	s11 =	smax.u32 s30, $0x1;
	s12 =	sadd.s32 s6, s7;
	s6 =	sadd.s32 $0xA2C00, s7  }
0xf: {  	s25 =	sadd.s32 s9, s7;
	s15 =	sadd.s32 s26, s7;
	s7 =	sadd.s32 $0x17C00, s13  }
0x10: {  	s13 =	sshrl.u32 s16, $0x3;
	s16 =	simm.s32 $0x5080;
	s9 =	sadd.s32 $0x3C00, s12  }
0x11: {  	s10 =	sadd.s32 $0xAF0E00, s25;
	s12 =	sadd.s32 $0xF0E00, s15;
	s15 =	simm.s32 $0x80  }
.LBB2_1:
0x12: {  	[spmem:s13], [sflag:s8] =	dma.local [hbm:s7], $0x2780  }
0x13: {  	_ =	swait.ge [sflag:s14], $0x2780  }
0x14: {  	[sflag:s14] =	ssyncset.done $0x0  }
0x15: {  	s19 =	sand.u32 $0x7C00, s3;
	[sflag:s14] =	ssyncadd.s32 $0xFFFFD880  }
0x16: {  	[tilespmem:s15], [sflag:$0x2] =	stream.linear.gather [hbm4b:s9+s3], $0x5000, $0x38;
	[tilespmem:$0x1CC80] =	vst v63  }
0x17: {  	s20 =	sand.u32 $0x380, s3;
	s19 =	sadd.s32 s4, s19;
	_ =	swait.ge [sflag:s14], $0x5000  }
0x18: {  	s19 =	sor.u32 s20, s19;
	[sflag:s14] =	ssyncset.done $0x0  }
0x19: {  	s19 =	sshrl.u32 s19, $0x3;
	[sflag:s14] =	ssyncadd.s32 $0xFFFFB000  }
0x1a: {  	s19 =	sadd.s32 s5, s19;
	[bflag:$0x0] =	sbarrier.arrive $0xFFFF  }
0x1b: {  	[tilespmem:s3], [sflag:$0x2] =	stream.linear.gather [hbm4b:s19+s3], $0x80, $0x38;
	[tilespmem:$0x1CC80] =	vst v63  }
0x1c: {  	_ =	swait.ge [sflag:s14], $0x80  }
0x1d: {  	[sflag:s14] =	ssyncset.done $0x0  }
0x1e: {  	[sflag:s14] =	ssyncadd.s32 $0xFFFFFF80  }
0x1f: {  	[tilespmem:s16], [sflag:$0x1] =	stream.indirect.gather [hbm4b:s6+s15], $0x80, s3, s15, $0xb8;
	[tilespmem:$0x1CC80] =	vst v63  }
0x20: {  	_ =	swait.ge [sflag:s17], $0x4000  }
0x21: {  	s30 =	simm.s32 $0x80;
	[sflag:s17] =	ssyncset.done $0x0  }
0x22: {  	s21 =	simm.s32 $0x100;
	s31 =	sand.u32 $0x7C00, s30;
	[sflag:s17] =	ssyncadd.s32 $0xFFFFC000  }
0x23: {  	[hbm4b:s12+s3] =	stream.linear.scatter [tilespmem:s16], [sflag:$0x2], $0x4000, $0x38;
	[tilespmem:$0x1CC80] =	vst v63  }
0x24: {  	s20 =	sadd.s32 s4, s31;
	s19 =	sand.u32 $0x380, s30;
	_ =	swait.ge [sflag:s14], $0x4000  }
0x25: {  	s22 =	sor.u32 s19, s20;
	s19 =	sadd.s32 $0x800, s12;
	[sflag:s14] =	ssyncset.done $0x0  }
.LBB2_2:
0x26: {  	s20 =	sshrl.u32 s22, $0x3  }
0x27: {  	[sflag:s14] =	ssyncadd.s32 $0xFFFFC000;
	s22 =	smov.u32 s21;
	s23 =	sadd.s32 $0x80, s21  }
0x28: {  	p0 =	sne.s32 s21, $0x4F80;
	s21 =	sadd.s32 s5, s20;
	s20 =	simm.s32 $0x0  }
0x29: {  	[tilespmem:s20], [sflag:$0x2] =	stream.linear.gather [hbm4b:s21+s20], $0x80, $0x38;
	[tilespmem:$0x1CC80] =	vst v63  }
0x2a: {  	_ =	swait.ge [sflag:s14], $0x80  }
0x2b: {  	[sflag:s14] =	ssyncset.done $0x0  }
0x2c: {  	[sflag:s14] =	ssyncadd.s32 $0xFFFFFF80  }
0x2d: {  	[tilespmem:s16], [sflag:$0x1] =	stream.indirect.gather [hbm4b:s6+s15], $0x80, s20, s15, $0xb8;
	[tilespmem:$0x1CC80] =	vst v63  }
0x2e: {  	_ =	swait.ge [sflag:s17], $0x4000  }
.Ltmp0:
0x2f: {  	s21 =	sand.u32 $0x7C00, s22;
	[sflag:s17] =	ssyncset.done $0x0;
	(pc) =	sbr.rel @p0 .LBB2_2-.Ltmp0, $4  }
0x30: {  	s22 =	sand.u32 $0x380, s22;
	s21 =	sadd.s32 s4, s21;
	[sflag:s17] =	ssyncadd.s32 $0xFFFFC000  }
0x31: {  	[hbm4b:s19+s20] =	stream.linear.scatter [tilespmem:s16], [sflag:$0x2], $0x4000, $0x38;
	[tilespmem:$0x1CC80] =	vst v63  }
0x32: {  	s22 =	sor.u32 s22, s21;
	_ =	swait.ge [sflag:s14], $0x4000  }
0x33: {  	s21 =	smov.u32 s23;
	s19 =	sadd.s32 $0x800, s19;
	[sflag:s14] =	ssyncset.done $0x0  }
0x34: {  	s21 =	sshrl.u32 s22, $0x3  }
0x35: {  	[sflag:s14] =	ssyncadd.s32 $0xFFFFC000;
	s21 =	sadd.s32 s5, s21  }
0x36: {  	[tilespmem:s20], [sflag:$0x2] =	stream.linear.gather [hbm4b:s21+s20], $0x80, $0x38;
	[tilespmem:$0x1CC80] =	vst v63  }
0x37: {  	_ =	swait.ge [sflag:s14], $0x80  }
0x38: {  	[sflag:s14] =	ssyncset.done $0x0  }
0x39: {  	[sflag:s14] =	ssyncadd.s32 $0xFFFFFF80  }
0x3a: {  	[tilespmem:s16], [sflag:$0x1] =	stream.indirect.gather [hbm4b:s6+s15], $0x80, s20, s15, $0xb8;
	[tilespmem:$0x1CC80] =	vst v63  }
0x3b: {  	_ =	swait.ge [sflag:s17], $0x4000  }
0x3c: {  	[sflag:s17] =	ssyncset.done $0x0  }
0x3d: {  	[sflag:s17] =	ssyncadd.s32 $0xFFFFC000  }
0x3e: {  	[hbm4b:s19+s20] =	stream.linear.scatter [tilespmem:s16], [sflag:$0x2], $0x4000, $0x38;
	[tilespmem:$0x1CC80] =	vst v63  }
0x3f: {  	_ =	swait.ge [sflag:s14], $0x4000  }
0x40: {  	[sflag:s14] =	ssyncset.done $0x0  }
0x41: {  	[sflag:s14] =	ssyncadd.s32 $0xFFFFC000  }
0x42: {  	[tilespmem:s16], [sflag:$0x2] =	stream.linear.gather [hbm4b:s12+s3], $0x4000, $0x38;
	[tilespmem:$0x1CC80] =	vst v63  }
0x43: {  	p0 =	por $0x1, $0x1;
	_ =	swait.ge [sflag:s14], $0x4000  }
.Ltmp1:
0x44: {  	[sflag:s14] =	ssyncset.done $0x0;
	(pc) =	sbr.rel @!p0 .LBB2_5-.Ltmp1, $4  }
0x45: {  	s31 =	simm.s32 $0x80;
	[sflag:s14] =	ssyncadd.s32 $0xFFFFC000  }
0x46: {  	[spmem:s2] =	stream.indirect.scatter.add.f32 [tilespmem:s16], [sflag:$0x2], $0x80, s31, s15, $0xb8;
	[tilespmem:$0x1CC80] =	vst v63  }
0x47: {  	_ =	swait.ge [sflag:s14], $0x4000  }
0x48: {  	s19 =	simm.s32 $0x200;
	s20 =	smov.u32 s12;
	[sflag:s14] =	ssyncset.done $0x0  }
.LBB2_4:
0x49: {  	p0 =	sne.s32 s19, $0x13E00;
	[sflag:s14] =	ssyncadd.s32 $0xFFFFC000;
	s20 =	sadd.s32 $0x800, s20  }
0x4a: {  	[tilespmem:s16], [sflag:$0x2] =	stream.linear.gather [hbm4b:s20+s3], $0x4000, $0x38;
	[tilespmem:$0x1CC80] =	vst v63  }
0x4b: {  	s21 =	smov.u32 s19;
	s19 =	sadd.s32 $0x200, s19;
	_ =	swait.ge [sflag:s14], $0x4000  }
.Ltmp2:
0x4c: {  	s21 =	sshra.s32 s21, $0x2;
	[sflag:s14] =	ssyncset.done $0x0;
	(pc) =	sbr.rel @p0 .LBB2_4-.Ltmp2, $4  }
0x4d: {  	s21 =	sadd.s32 $0x80, s21;
	[sflag:s14] =	ssyncadd.s32 $0xFFFFC000  }
0x4e: {  	[spmem:s2] =	stream.indirect.scatter.add.f32 [tilespmem:s16], [sflag:$0x2], $0x80, s21, s15, $0xb8;
	[tilespmem:$0x1CC80] =	vst v63  }
0x4f: {  	_ =	swait.ge [sflag:s14], $0x4000  }
0x50: {  	[sflag:s14] =	ssyncset.done $0x0  }
.LBB2_5:
0x51: {  	[sflag:s14] =	ssyncadd.s32 $0xFFFFC000;
	s20 =	simm.s32 $0x1  }
0x52: {  	s19 =	simm.s32 $0x1869F;
	[bflag:$0x0] =	sbarrier.arrive $0xFFFF;
	s20 =	smul.u32 $0x3, s20  }
.LBB2_6:
0x53: {  	p0 =	sne.s32 s19, $0x1  }
.Ltmp3:
0x54: {  	s19 =	sadd.s32 $0xFFFFFFFF, s19;
	s20 =	sadd.s32 $0x1, s20;
	(pc) =	sbr.rel @p0 .LBB2_6-.Ltmp3, $2  }
0x55: {  	_ =	sdelay $0x2  }
0x56: {  	s20 =	smul.u32 $0x3, s20  }
0x57: {  	_ = 	snop  }
0x58: {  	s19 =	sadd.s32 $0x1, s20  }
0x59: {  	s18 =	sadd.s32 $0x1, s18;
	v0 =	vmov s19  }
0x5a: {  	p0 =	sne.s32 s18, s11;
	[tilespmem:$0x0] =	vst v0  }
.Ltmp4:
0x5b: {  	[bflag:$0x0] =	sbarrier.arrive $0xFFFF;
	(pc) =	sbr.rel @p0 .LBB2_1-.Ltmp4, $4  }
0x5c: {  	[hbm:s10], [sflag:s8] =	dma.local [spmem:s13], $0x2780  }
0x5d: {  	_ =	swait.ge [sflag:s14], $0x2780  }
0x5e: {  	[sflag:s14] =	ssyncset.done $0x0  }
0x5f: {  	[sflag:s14] =	ssyncadd.s32 $0xFFFFD880  }
0x60: {  	_ =	sfence.sel $0x180000  }
0x61: {  	[bflag:$0x0] =	sbarrier.arrive $0xFFFF  }
0x62: {  	p0 =	sne.s32 s1, $0x0;
	_ =	strace $0x9000004A  }
0x63: {  	s0 =	sadd.s32 @!p0 $0x100000, s0;
	[bflag:$0x2] =	sbarrier.arrive $0xFFFF  }
0x64: {  	[sflag:s0] =	ssyncadd.tile.s32 @!p0 $0x1;
	_ =	shalt  }
.Lfunc_end2:
_tile_overlayer_lowered:
.L_overlay_start_2:
0x65: {  	(tag) =	ssettag $0x2  }
0x66: {  	s0 =	rddreg [dreg:$0x0];
	s2 =	stileid.u32  }
0x67: {  	s1 =	rddreg [dreg:$0x1];
	p0 =	sne.s32 s2, $0x0  }
0x68: {  	s3 =	rddreg [dreg:$0x2];
	[bflag:$0x3] =	sbarrier.arrive $0xFFFF;
	s2 =	simm.s32 @!p0 $0x1C02  }
0x69: {  	[timem:s3], [sflag:s2] =	dma.local @!p0 [hbm:s0], s1  }
0x6a: {  	s0 =	simm.s32 @!p0 $0x2  }
0x6b: {  	_ =	swait.ge @!p0 [sflag:s0], s1  }
0x6c: {  	s1 =	ssub.s32 @!p0 $0x0, s1;
	[sflag:s0] =	ssyncset.done @!p0 $0x0  }
0x6d: {  	[sflag:s0] =	ssyncadd.s32 @!p0 s1  }
0x6e: {  	[bflag:$0x3] =	sbarrier.arrive $0xFFFF  }
0x6f: {  	_ =	shalt  }

// kernel: kernel.9.cloned.1.call-start
scs
__scs_entry_jumppad:
0x0: {  	(pc) =	sbr.rel $0x88, $3  }
0x1: {  	(tag) =	ssettag $0x0;
	lr =	simm.s32 $0x1  }
0x2: {  	[smem:$0x3F85] =	sst lr;
	_ =	strace $0xD0000000  }
0x3: {  	_ = 	snop  }
0x4: {  	_ = 	snop  }
0x5: {  	_ = 	snop  }
0x6: {  	_ = 	snop  }
0x7: {  	_ = 	snop  }
__scs_overlays_trampoline_lowered:
0x8: {  	[smem:$0x3F94] =	sst s0  }
0x9: {  	[smem:$0x3F95] =	sst s1  }
0xa: {  	[smem:$0x3F96] =	sst s2  }
0xb: {  	[smem:$0x3F97] =	sst s3  }
0xc: {  	[smem:$0x3F98] =	sst s4  }
0xd: {  	[smem:$0x3F99] =	sst s5  }
0xe: {  	[smem:$0x3F9A] =	sst s6  }
0xf: {  	[smem:$0x3F9B] =	sst s7  }
0x10: {  	[smem:$0x3F9C] =	sst s8  }
0x11: {  	[smem:$0x3F9D] =	sst s9;
	s0 =	simm.s32 @!p0 $0x0  }
0x12: {  	s1 =	sld [smem:$0x3F83];
	s0 =	simm.s32 @p0 $0x1  }
0x13: {  	[smem:$0x3F9E] =	sst s0;
	s0 =	simm.s32 @!p1 $0x0  }
0x14: {  	s2 =	sld [smem:$0x3F82];
	s0 =	simm.s32 @p1 $0x1  }
0x15: {  	[smem:$0x3F9F] =	sst s0;
	s0 =	simm.s32 @!p2 $0x0  }
0x16: {  	s3 =	sld [smem:$0x3FDB];
	s0 =	simm.s32 @p2 $0x1  }
0x17: {  	s4 =	simm.s32 $0x1BF5;
	[smem:$0x3FA1] =	sst s0  }
0x18: {  	s0 =	sld [smem:$0x3F84];
	_ =	swait.ge [sflag:s4], $0x0  }
0x19: {  	s7 =	sld [smem:$0x3F85]  }
0x1a: {  	s8 =	sadd.s32 $0xFFFFE003, lr  }
0x1b: {  	s9 =	sadd.s32 $0xFFFFFEF7, lr;
	s5 =	simm.s32 $0xFFFFFFFF;
	p2 =	slt.u32 s8, $0xFFFFF086  }
0x1c: {  	p1 =	slt.u32 s9, $0xF7A;
	s5 =	simm.s32 @!p2 $0x0  }
0x1d: {  	s5 =	simm.s32 @p1 $0x1;
	p0 =	seq.s32 s7, s2  }
0x1e: {  	s7 =	smul.u32 @!p0 $0xF7A, s2;
	p2 =	seq.s32 @!p0 s5, $0x0  }
0x1f: {  	s9 =	smul.u32 $0xF7A, s1;
	s8 =	simm.s32 @!p0 $0x1BF5;
	p2 =	por !p2, p0  }
0x20: {  	[sflag:s8] =	ssyncset.s32 @!p0 $0xFFFFF086;
	s6 =	sadd.s32 @!p0 s3, s7;
	s7 =	simm.s32 @!p0 $0x108  }
0x21: {  	s3 =	sadd.s32 s3, s9;
	s6 =	sadd.s32 @!p0 $0x88, s6;
	s7 =	simm.s32 @p2 $0x1082  }
0x22: {  	[simem:s7], [sflag:s8] =	dma.local @!p0 [hbm:s6], $0xF7A  }
0x23: {  	s9 =	sor.u32 $0xD0000000, s2;
	s6 =	simm.s32 $0x108;
	_ =	swait.ge @!p0 [sflag:s8], $0x0  }
0x24: {  	s3 =	sadd.s32 $0x88, s3;
	s6 =	simm.s32 @!p1 $0x1082;
	[sflag:s4] =	ssyncset.s32 $0xFFFFF086  }
0x25: {  	[simem:s6], [sflag:s4] =	dma.local [hbm:s3], $0xF7A  }
0x26: {  	[smem:$0x3F85] =	sst s1;
	(tag) =	ssettag s2;
	_ =	strace s9  }
0x27: {  	s1 =	sld [smem:$0x3F95]  }
0x28: {  	s2 =	sld [smem:$0x3F96]  }
0x29: {  	s4 =	sld [smem:$0x3F98]  }
0x2a: {  	p0 =	seq.s32 s5, $0x0;
	s5 =	sld [smem:$0x3F99]  }
0x2b: {  	s6 =	sld [smem:$0x3F9A]  }
0x2c: {  	s7 =	sld [smem:$0x3F9B]  }
0x2d: {  	s3 =	simm.s32 $0x108;
	s8 =	sld [smem:$0x3F9C]  }
0x2e: {  	s3 =	simm.s32 @!p0 $0x1082;
	s9 =	sld [smem:$0x3F9D]  }
0x2f: {  	lr =	sadd.s32 s0, s3;
	s0 =	sld [smem:$0x3F94]  }
0x30: {  	s3 =	sld [smem:$0x3F97]  }
0x31: {  	[smem:$0x3FA0] =	sst s10  }
0x32: {  	s10 =	sld [smem:$0x3F9E];
	_ =	sdelay $0x3  }
0x33: {  	p0 =	seq.s32 s10, $0x1;
	s10 =	sld [smem:$0x3FA0];
	_ =	sdelay $0x3  }
0x34: {  	[smem:$0x3FA0] =	sst s10  }
0x35: {  	s10 =	sld [smem:$0x3F9F];
	_ =	sdelay $0x3  }
0x36: {  	p1 =	seq.s32 s10, $0x1;
	s10 =	sld [smem:$0x3FA0];
	_ =	sdelay $0x3  }
0x37: {  	[smem:$0x3FA0] =	sst s10  }
0x38: {  	s10 =	sld [smem:$0x3FA1]  }
0x39: {  	_ = 	snop;
	(pc) =	sbr.ind lr, $3  }
0x3a: {  	_ = 	snop  }
0x3b: {  	_ = 	snop  }
0x3c: {  	p2 =	seq.s32 s10, $0x1;
	s10 =	sld [smem:$0x3FA0]  }
0x3d: {  	_ =	shalt  }
0x3e: {  	_ =	shalt  }
0x3f: {  	_ =	shalt  }
0x40: {  	_ =	shalt  }
0x41: {  	_ =	shalt  }
0x42: {  	_ =	shalt  }
0x43: {  	_ =	shalt  }
0x44: {  	_ =	shalt  }
0x45: {  	_ =	shalt  }
0x46: {  	_ =	shalt  }
0x47: {  	_ =	shalt  }
0x48: {  	_ =	shalt  }
0x49: {  	_ =	shalt  }
0x4a: {  	_ =	shalt  }
0x4b: {  	_ =	shalt  }
0x4c: {  	_ =	shalt  }
0x4d: {  	_ =	shalt  }
0x4e: {  	_ =	shalt  }
0x4f: {  	_ =	shalt  }
0x50: {  	_ =	shalt  }
0x51: {  	_ =	shalt  }
0x52: {  	_ =	shalt  }
0x53: {  	_ =	shalt  }
0x54: {  	_ =	shalt  }
0x55: {  	_ =	shalt  }
0x56: {  	_ =	shalt  }
0x57: {  	_ =	shalt  }
0x58: {  	_ =	shalt  }
0x59: {  	_ =	shalt  }
0x5a: {  	_ =	shalt  }
0x5b: {  	_ =	shalt  }
0x5c: {  	_ =	shalt  }
0x5d: {  	_ =	shalt  }
0x5e: {  	_ =	shalt  }
0x5f: {  	_ =	shalt  }
0x60: {  	_ =	shalt  }
0x61: {  	_ =	shalt  }
0x62: {  	_ =	shalt  }
0x63: {  	_ =	shalt  }
0x64: {  	_ =	shalt  }
0x65: {  	_ =	shalt  }
0x66: {  	_ =	shalt  }
0x67: {  	_ =	shalt  }
0x68: {  	_ =	shalt  }
0x69: {  	_ =	shalt  }
0x6a: {  	_ =	shalt  }
0x6b: {  	_ =	shalt  }
0x6c: {  	_ =	shalt  }
0x6d: {  	_ =	shalt  }
0x6e: {  	_ =	shalt  }
0x6f: {  	_ =	shalt  }
0x70: {  	_ =	shalt  }
0x71: {  	_ =	shalt  }
0x72: {  	_ =	shalt  }
0x73: {  	_ =	shalt  }
0x74: {  	_ =	shalt  }
0x75: {  	_ =	shalt  }
0x76: {  	_ =	shalt  }
0x77: {  	_ =	shalt  }
0x78: {  	_ =	shalt  }
0x79: {  	_ =	shalt  }
0x7a: {  	_ =	shalt  }
0x7b: {  	_ =	shalt  }
0x7c: {  	_ =	shalt  }
0x7d: {  	_ =	shalt  }
0x7e: {  	_ =	shalt  }
0x7f: {  	_ =	shalt  }
0x80: {  	_ =	shalt  }
0x81: {  	_ =	shalt  }
0x82: {  	_ =	shalt  }
0x83: {  	_ =	shalt  }
0x84: {  	_ =	shalt  }
0x85: {  	_ =	shalt  }
0x86: {  	_ =	shalt  }
0x87: {  	_ =	shalt  }
.Lfunc_end0:
.L_simem_size_0:
called_computation_lowered:
.L_overlay_start_0:
0x88: {  	s2 =	sld [smem:$0x3FD9]  }
0x89: {  	s3 =	sld [smem:$0x3FFE];
	_ =	sdelay $0x1  }
0x8a: {  	s1 =	srdreg.scid  }
0x8b: {  	s0 =	sand.u32 $0x1, s1  }
0x8c: {  	s16 =	sshll.u32 s0, $0xA;
	s2 =	sadd.s32 s3, s2  }
0x8d: {  	s2 =	sadd.s32 s2, s16  }
0x8e: {  	[smem:$0x3FAC] =	sst s2  }
0x8f: {  	_ = 	snop  }
0x90: {  	(tm) =	ssettm $0x1  }
0x91: {  	s17 =	sld [smem:$0x3FFB];
	_ =	sdelay $0x3  }
0x92: {  	_ =	strace s17  }
0x93: {  	s2 =	sld [smem:$0x3FFC];
	_ =	sdelay $0x3  }
0x94: {  	_ =	strace s2  }
0x95: {  	s2 =	sld [smem:$0x3FFD];
	_ =	sdelay $0x3  }
0x96: {  	_ =	strace s2  }
0x97: {  	_ =	strace $0x8FFFFFFF  }
0x98: {  	s18 =	sld [smem:$0x3FDB];
	_ =	sdelay $0x1  }
0x99: {  	s19 =	simm.s32 $_scs_section_size  }
0x9a: {  	s4 =	simm.s32 $_size__tile_overlayer_lowered;
	s5 =	simm.s32 $_tile_overlayer_lowered  }
0x9b: {  	s22 =	simm.s32 $0x1BFF;
	s21 =	sshll.u32 s5, $0x1;
	s2 =	sadd.s32 s19, s18  }
0x9c: {  	s6 =	simm.s32 $0x0;
	s20 =	sshll.u32 s4, $0x1;
	s4 =	sadd.s32 s21, s2  }
0x9d: {  	[timem:s6], [sflag:s22] =	dma.local [hbm:s4], s20  }
0x9e: {  	_ =	swait.ge [sflag:s22], s20  }
0x9f: {  	s3 =	ssub.s32 $0x0, s20;
	[sflag:s22] =	ssyncset.done $0x0  }
0xa0: {  	[sflag:s22] =	ssyncadd.s32 s3;
	_ =	sdelay $0x1  }
0xa1: {  	s23 =	simm.s32 $0x1B8B  }
0xa2: {  	_ =	swait.ge [sflag:s23], $0x1  }
0xa3: {  	[sflag:s23] =	ssyncset.done $0x0  }
0xa4: {  	s25 =	simm.s32 $0x1B8E;
	s24 =	sld [smem:$0x3FFE];
	[sflag:s23] =	ssyncadd.s32 $0xFFFFFFFF  }
0xa5: {  	s26 =	simm.s32 $execute0_lowered;
	[smem:$0x3FD2] =	sst s25  }
0xa6: {  	s4 =	sshll.u32 s26, $0x1;
	_ =	strace $0x80000046;
	[dreg:$0x1] =	wrdreg $0xFFFFFFFF  }
0xa7: {  	s28 =	simm.s32 $_size_execute0_lowered;
	s2 =	sadd.s32 s2, s4;
	[dreg:$0x0] =	wrdreg $0x0  }
0xa8: {  	s4 =	sshll.u32 s28, $0x1;
	[dreg:$0x2] =	wrdreg s2  }
0xa9: {  	[dreg:$0x3] =	wrdreg s4  }
0xaa: {  	[dreg:$0x4] =	wrdreg $0xC0  }
0xab: {  	_ =	task [dreg:s6], $0x5FFFF  }
0xac: {  	[dreg:$0x1] =	wrdreg $0xFFFFFFFF  }
0xad: {  	[dreg:$0x0] =	wrdreg $0x60  }
0xae: {  	[dreg:$0x2] =	wrdreg s24  }
0xaf: {  	[dreg:$0x3] =	wrdreg $0x90000  }
0xb0: {  	[dreg:$0x4] =	wrdreg $0x9  }
0xb1: {  	_ =	task.clear_ibuf [dreg:s6], $0x5FFFF;
	_ =	strace $0x90000046  }
0xb2: {  	s29 =	simm.s32 $0x9;
	_ =	strace $0x80000048  }
0xb3: {  	_ =	swait.ge [sflag:s29], $0x1  }
0xb4: {  	[sflag:s29] =	ssyncadd.s32 $0xFFFFFFFF  }
0xb5: {  	_ =	strace $0x90000048  }
0xb6: {  	_ =	sfence  }
0xb7: {  	s30 =	sld [smem:$0x0];
	_ =	sdelay $0x2  }
0xb8: {  	s31 =	sshll.u32 s1, $0xD;
	s1 =	sshrl.u32 s1, $0x2  }
0xb9: {  	s3 =	sand.u32 $0x4000, s31;
	s1 =	sadd.s32 s1, s30  }
0xba: {  	s0 =	sor.u32 s3, s0;
	s1 =	sshll.u32 s1, $0x11  }
0xbb: {  	s0 =	sor.u32 s1, s0  }
0xbc: {  	s0 =	sadd.s32 $0x8F2B, s0  }
0xbd: {  	[sflag:s0] =	ssyncadd.remote.s32 $0x1  }
0xbe: {  	_ =	sfence.sel $0xFFFF  }
0xbf: {  	[dreg:$0x0] =	wrdreg $0xFFFFFFFF;
	(pc) =	sbr.abs _section_cstart, $3  }
0xc0: {  	[dreg:$0x1] =	wrdreg $0xFFFFFFFF  }
0xc1: {  	_ =	task.clear_ibuf [dreg:s6], $0x2FFFF;
	_ =	strace $0x9FFFFFFF  }
0xc2: {  	(tm) =	ssettm $0x7FFFFFFF  }
0xc3: {  	_ =	shalt  }
tec
execute0_lowered:
.L_overlay_start_1:
0x0: {  	(tag) =	ssettag $0x1  }
0x1: {  	s0 =	srdreg.scid;
	s5 =	rddreg [dreg:$0x0]  }
0x2: {  	s2 =	rddreg [dreg:$0x1];
	s4 =	sand.u32 $0x1, s0  }
0x3: {  	s0 =	stileid.u32;
	s6 =	smul.u32 $0x50000, s4  }
0x4: {  	s1 =	rddreg [dreg:$0x2];
	s3 =	simm.s32 $0x0;
	s7 =	smul.u32 $0x5000, s0  }
0x5: {  	s14 =	simm.s32 $0x0;
	[smem:$0x7FF] =	sst s3;
	s8 =	smul.u32 $0x13C00, s0  }
0x6: {  	s9 =	smul.u32 $0x13C000, s4;
	_ =	strace $0x80000047;
	s28 =	ssub.s32 $0x2, s4  }
0x7: {  	s29 =	smul.u32 $0x4F000, s0;
	s4 =	sadd.s32 $0x3F400, s5;
	s31 =	sshll.u32 s0, $0x6  }
0x8: {  	s11 =	sshrl.u32 s28, $0x1;
	s6 =	sadd.s32 s7, s6;
	s24 =	sshrl.u32 s8, $0x3  }
0x9: {  	s26 =	sadd.s32 s8, s9;
	s11 =	ssub.s32 s28, s11;
	s30 =	sshrl.u32 s29, $0x2  }
0xa: {  	s6 =	sshrl.u32 s6, $0x3;
	s25 =	sadd.s32 s24, s5;
	s7 =	sshrl.u32 s26, $0x3  }
0xb: {  	s13 =	sadd.s32 s30, s2;
	s9 =	smax.u32 s11, $0x1;
	s11 =	simm.s32 $0x1  }
0xc: {  	s10 =	sadd.s32 s6, s5;
	s12 =	sadd.s32 s7, s5;
	s5 =	sadd.s32 $0x17C00, s25  }
0xd: {  	s6 =	sor.u32 $0x1C01, s31;
	s7 =	sadd.s32 $0x3C00, s10;
	s8 =	sadd.s32 $0x3FC00, s12  }
0xe: {  	s10 =	sshrl.u32 s13, $0x3;
	s12 =	simm.s32 $0x5000;
	s13 =	simm.s32 $0x80  }
.LBB2_1:
0xf: {  	[spmem:s10], [sflag:s6] =	dma.local [hbm:s5], $0x2780  }
0x10: {  	_ =	swait.ge [sflag:s11], $0x2780  }
0x11: {  	[sflag:s11] =	ssyncset.done $0x0  }
0x12: {  	[sflag:s11] =	ssyncadd.s32 $0xFFFFD880  }
0x13: {  	[tilespmem:s12], [sflag:$0x1] =	stream.linear.gather [hbm4b:s4+s3], $0x4000, $0x38;
	[tilespmem:$0xB780] =	vst v63  }
0x14: {  	_ =	swait.ge [sflag:s11], $0x4000  }
0x15: {  	[sflag:s11] =	ssyncset.done $0x0  }
0x16: {  	[sflag:s11] =	ssyncadd.s32 $0xFFFFC000  }
0x17: {  	[tilespmem:s3], [sflag:$0x1] =	stream.linear.gather [hbm4b:s7+s3], $0x5000, $0x38;
	[tilespmem:$0xB780] =	vst v63  }
0x18: {  	_ =	swait.ge [sflag:s11], $0x5000  }
0x19: {  	[sflag:s11] =	ssyncset.done $0x0  }
0x1a: {  	[sflag:s11] =	ssyncadd.s32 $0xFFFFB000  }
0x1b: {  	s15 =	simm.s32 $0x0;
	[bflag:$0x0] =	sbarrier.arrive $0xFFFF  }
0x1c: {  	[spmem:s2] =	stream.indirect.scatter.add.f32 [tilespmem:s12], [sflag:$0x1], $0x10, s15, s13, $0xb8;
	[tilespmem:$0xB780] =	vst v63  }
0x1d: {  	_ =	swait.ge [sflag:s11], $0x800  }
0x1e: {  	s15 =	simm.s32 $0x200;
	[sflag:s11] =	ssyncset.done $0x0  }
.LBB2_2:
0x1f: {  	s16 =	sshra.s32 s15, $0x2;
	[sflag:s11] =	ssyncadd.s32 $0xFFFFF800;
	p0 =	sne.s32 s15, $0x13E00  }
0x20: {  	[spmem:s2] =	stream.indirect.scatter.add.f32 [tilespmem:s12], [sflag:$0x1], $0x10, s16, s13, $0xb8;
	[tilespmem:$0xB780] =	vst v63  }
.Ltmp0:
0x21: {  	_ = 	snop;
	(pc) =	sbr.rel @p0 .LBB2_2-.Ltmp0, $4  }
0x22: {  	_ = 	snop  }
0x23: {  	s15 =	sadd.s32 $0x200, s15  }
0x24: {  	_ =	swait.ge [sflag:s11], $0x800  }
0x25: {  	[sflag:s11] =	ssyncset.done $0x0  }
0x26: {  	[sflag:s11] =	ssyncadd.s32 $0xFFFFF800;
	s16 =	simm.s32 $0x1  }
0x27: {  	s15 =	simm.s32 $0x1869F;
	[bflag:$0x0] =	sbarrier.arrive $0xFFFF;
	s16 =	smul.u32 $0x3, s16  }
.LBB2_4:
0x28: {  	p0 =	sne.s32 s15, $0x1  }
.Ltmp1:
0x29: {  	s15 =	sadd.s32 $0xFFFFFFFF, s15;
	s16 =	sadd.s32 $0x1, s16;
	(pc) =	sbr.rel @p0 .LBB2_4-.Ltmp1, $2  }
0x2a: {  	_ =	sdelay $0x2  }
0x2b: {  	s16 =	smul.u32 $0x3, s16  }
0x2c: {  	_ = 	snop  }
0x2d: {  	s15 =	sadd.s32 $0x1, s16  }
0x2e: {  	s14 =	sadd.s32 $0x1, s14;
	v0 =	vmov s15  }
0x2f: {  	p0 =	sne.s32 s14, s9;
	[tilespmem:$0x0] =	vst v0  }
.Ltmp2:
0x30: {  	[bflag:$0x0] =	sbarrier.arrive $0xFFFF;
	(pc) =	sbr.rel @p0 .LBB2_1-.Ltmp2, $4  }
0x31: {  	[hbm:s8], [sflag:s6] =	dma.local [spmem:s10], $0x2780  }
0x32: {  	_ =	swait.ge [sflag:s11], $0x2780  }
0x33: {  	[sflag:s11] =	ssyncset.done $0x0  }
0x34: {  	[sflag:s11] =	ssyncadd.s32 $0xFFFFD880  }
0x35: {  	_ =	sfence.sel $0x180000  }
0x36: {  	[bflag:$0x0] =	sbarrier.arrive $0xFFFF  }
0x37: {  	p0 =	sne.s32 s0, $0x0;
	_ =	strace $0x90000047  }
0x38: {  	s0 =	sadd.s32 @!p0 $0x100000, s1;
	[bflag:$0x2] =	sbarrier.arrive $0xFFFF  }
0x39: {  	[sflag:s0] =	ssyncadd.tile.s32 @!p0 $0x1;
	_ =	shalt  }
.Lfunc_end2:
_tile_overlayer_lowered:
.L_overlay_start_2:
0x3a: {  	(tag) =	ssettag $0x2  }
0x3b: {  	s0 =	rddreg [dreg:$0x0];
	s2 =	stileid.u32  }
0x3c: {  	s1 =	rddreg [dreg:$0x1];
	p0 =	sne.s32 s2, $0x0  }
0x3d: {  	s3 =	rddreg [dreg:$0x2];
	[bflag:$0x3] =	sbarrier.arrive $0xFFFF;
	s2 =	simm.s32 @!p0 $0x1C01  }
0x3e: {  	[timem:s3], [sflag:s2] =	dma.local @!p0 [hbm:s0], s1  }
0x3f: {  	s0 =	simm.s32 @!p0 $0x1  }
0x40: {  	_ =	swait.ge @!p0 [sflag:s0], s1  }
0x41: {  	s1 =	ssub.s32 @!p0 $0x0, s1;
	[sflag:s0] =	ssyncset.done @!p0 $0x0  }
0x42: {  	[sflag:s0] =	ssyncadd.s32 @!p0 s1  }
0x43: {  	[bflag:$0x3] =	sbarrier.arrive $0xFFFF  }
0x44: {  	_ =	shalt  }

</sc_bundles>
